<compile_context>
chip_gen: v7x
topology: tpu7x:2x2x1
jax: 0.10.2.dev20260603
libtpu: 0.0.44.dev20260713+nightly
codegen_flags: <defaults>
</compile_context>

<pallas_src>
import functools

import jax
import jax.numpy as jnp
from jax import lax
from jax.experimental import pallas as pl
from jax.experimental.pallas import tpu as pltpu
from jax.experimental.pallas import tpu_sc as plsc

_VOCAB = 25002
_EMB = 100
_B = 4096
_L = 200

_COL_BLK = 5120
_N_BLK = 5
_VPAD = _COL_BLK * _N_BLK

_NC = 2
_NS = 16
_NW = _NC * _NS
_ROWS_PER_W = _B // _NW
_RG = _ROWS_PER_W // 16


def _matvec_body(tabt_ref, w_ref, b_ref, v_ref):
    s = lax.dot_general(
        w_ref[...], tabt_ref[...],
        (((1,), (0,)), ((), ())),
        preferred_element_type=jnp.float32,
    )
    v_ref[...] = (s[0] + b_ref[0]) * (1.0 / _L)


def _tc_matvec(tabT, W, b):
    return pl.pallas_call(
        _matvec_body,
        grid=(1,),
        in_specs=[
            pl.BlockSpec((_EMB, _VPAD), lambda i: (0, 0)),
            pl.BlockSpec((1, _EMB), lambda i: (0, 0)),
            pl.BlockSpec(memory_space=pltpu.SMEM),
        ],
        out_specs=pl.BlockSpec((_VPAD,), lambda i: (0,)),
        out_shape=jax.ShapeDtypeStruct((_VPAD,), jnp.float32),
    )(tabT, W, b)


_N_CHUNK = 5
_L_CHUNK = _L // _N_CHUNK


def _sc_body(textt_hbm, v_hbm, out_hbm, text_v, v_v, out_v, sem_v, *sem_t):
    wid = lax.axis_index("s") * _NC + lax.axis_index("c")
    base = wid * _ROWS_PER_W
    cp_v = pltpu.async_copy(v_hbm, v_v, sem_v)
    cps = [
        pltpu.async_copy(
            textt_hbm.at[pl.ds(k * _L_CHUNK, _L_CHUNK), pl.ds(base, _ROWS_PER_W)],
            text_v.at[pl.ds(k * _L_CHUNK, _L_CHUNK), :],
            sem_t[k],
        )
        for k in range(_N_CHUNK)
    ]
    cp_v.wait()

    def step(l, accs):
        new = []
        for rg in range(_RG):
            tok = text_v[l, pl.ds(rg * 16, 16)]
            new.append(accs[rg] + plsc.load_gather(v_v, [tok]))
        return tuple(new)

    accs = (jnp.zeros((16,), jnp.float32),) * _RG
    for k in range(_N_CHUNK):
        cps[k].wait()
        accs = lax.fori_loop(k * _L_CHUNK, (k + 1) * _L_CHUNK, step, accs)
    for rg in range(_RG):
        out_v[pl.ds(rg * 16, 16)] = accs[rg]
    pltpu.sync_copy(out_v, out_hbm.at[pl.ds(base, _ROWS_PER_W)])


_sc_pool = functools.partial(
    pl.kernel,
    out_type=jax.ShapeDtypeStruct((_B,), jnp.float32),
    mesh=plsc.VectorSubcoreMesh(core_axis_name="c", subcore_axis_name="s"),
    compiler_params=pltpu.CompilerParams(needs_layout_passes=False),
    scratch_types=[
        pltpu.VMEM((_L, _ROWS_PER_W), jnp.int32),
        pltpu.VMEM((_VPAD,), jnp.float32),
        pltpu.VMEM((_ROWS_PER_W,), jnp.float32),
        pltpu.SemaphoreType.DMA,
        pltpu.SemaphoreType.DMA,
        pltpu.SemaphoreType.DMA,
        pltpu.SemaphoreType.DMA,
        pltpu.SemaphoreType.DMA,
        pltpu.SemaphoreType.DMA,
    ],
)(_sc_body)


def kernel(text, text_lengths, table, W, b):
    v = _tc_matvec(table.T, W, b)
    out = _sc_pool(text.T, v)
    return out.reshape(_B, 1)

# --- scband reference (transcript-rebuilt; emitter-appended) ---
"""Pipeline reference for scband-rnn3-5025111736911 (READ-ONLY COPY).

The authoritative reference and input builder live on the scoring server;
editing this copy changes nothing except your own understanding.
"""

import jax, jax.numpy as jnp
import numpy as np

VOCAB = 25002
EMB = 100
OUT = 1
PAD_IDX = 1


def setup_inputs(seed: int = 0) -> dict:
    key = jax.random.key(seed)
    k1, k2, k3, k4 = jax.random.split(key, 4)
    text = jax.random.randint(k1, (4096, 200), 0, VOCAB, dtype=jnp.int64 if jax.config.jax_enable_x64 else jnp.int32).astype(jnp.int32)
    text_lengths = jax.random.randint(k2, (4096,), 1, 200).astype(jnp.int32)
    table = jax.random.normal(k3, (VOCAB, EMB), dtype=jnp.float32)
    table = table.at[PAD_IDX].set(0.0)  # padding_idx row zero-initialized
    W = jax.random.normal(k4, (OUT, EMB), dtype=jnp.float32) * 0.1
    b = jnp.zeros((OUT,), dtype=jnp.float32)
    return {"text": text, "text_lengths": text_lengths, "table": table, "W": W, "b": b}


def reference(text, text_lengths, table, W, b):
    # embedding lookup: [B, L, EMB]
    embedded = jnp.take(table, text, axis=0)
    # F.avg_pool2d(embedded, (L, 1)).squeeze(1) == mean over sequence axis
    pooled = jnp.mean(embedded, axis=1)  # [B, EMB]
    # linear layer
    out = pooled @ W.T + b  # [B, 1]
    return out

if __name__ == "__main__":
    import jax
    _d = setup_inputs()
    print(jax.jit(kernel)(*tuple(_d.values())))

</pallas_src>

<mosaic_0001>
#map = affine_map<(d0, d1) -> (0, 0)>
#map1 = affine_map<(d0, d1) -> (0)>
module attributes {stable_mosaic.version = 14 : i64} {
  func.func @_sc_body(%arg0: i32, %arg1: i32, %arg2: memref<200x4096xi32, #tpu.memory_space<hbm>>, %arg3: memref<25600xf32, #tpu.memory_space<hbm>>, %arg4: memref<4096xf32, #tpu.memory_space<hbm>>, %arg5: memref<200x128xi32, #tpu.memory_space<vmem>>, %arg6: memref<25600xf32, #tpu.memory_space<vmem>>, %arg7: memref<128xf32, #tpu.memory_space<vmem>>, %arg8: memref<!tpu.dma_semaphore, #tpu.memory_space<semaphore_mem>>, %arg9: memref<!tpu.dma_semaphore, #tpu.memory_space<semaphore_mem>>, %arg10: memref<!tpu.dma_semaphore, #tpu.memory_space<semaphore_mem>>, %arg11: memref<!tpu.dma_semaphore, #tpu.memory_space<semaphore_mem>>, %arg12: memref<!tpu.dma_semaphore, #tpu.memory_space<semaphore_mem>>, %arg13: memref<!tpu.dma_semaphore, #tpu.memory_space<semaphore_mem>>) attributes {dimension_semantics = [#tpu.dimension_semantics<core_parallel>, #tpu.dimension_semantics<subcore_parallel>], iteration_bounds = array<i64: 2, 16>, scalar_prefetch = 0 : i64, scratch_operands = 9 : i64, tpu.core_type = #tpu.core_type<sc_vector_subcore>, window_params = [{transform_indices = #map}, {transform_indices = #map1}, {transform_indices = #map1}]} {
    %mul3A = arith.constant 2 : i32
    %mul3A_0 = arith.muli %arg1, %mul3A : i32
    %add3A = arith.addi %mul3A_0, %arg0 : i32
    %mul3A_1 = arith.constant 128 : i32
    %mul3A_2 = arith.muli %add3A, %mul3A_1 : i32
    tpu.enqueue_dma source(%arg3 : memref<25600xf32, #tpu.memory_space<hbm>>) target(%arg6 : memref<25600xf32, #tpu.memory_space<vmem>>) target_semaphore(%arg8 : memref<!tpu.dma_semaphore, #tpu.memory_space<semaphore_mem>>)
    %dma_start3A = arith.constant 0 : i32
    %dma_start3A_3 = arith.constant 0 : i32
    %dma_start3A_4 = tpu.memref_slice %arg5[%dma_start3A, %dma_start3A_3] : memref<200x128xi32, #tpu.memory_space<vmem>> -> memref<40x128xi32, #tpu.memory_space<vmem>>
    %dma_start3A_5 = arith.constant 0 : i32
    %dma_start3A_6 = tpu.memref_slice %arg2[%dma_start3A_5, %mul3A_2] : memref<200x4096xi32, #tpu.memory_space<hbm>> -> memref<40x128xi32, #tpu.memory_space<hbm>>
    %dma_start3A_7 = arith.constant 0 : i32
    %dma_start3A_8 = arith.constant 0 : i32
    %dma_start3A_9 = tpu.memref_slice %arg5[%dma_start3A_7, %dma_start3A_8] : memref<200x128xi32, #tpu.memory_space<vmem>> -> memref<40x128xi32, #tpu.memory_space<vmem>>
    %dma_start3A_10 = arith.constant 0 : i32
    %dma_start3A_11 = tpu.memref_slice %arg2[%dma_start3A_10, %mul3A_2] : memref<200x4096xi32, #tpu.memory_space<hbm>> -> memref<40x128xi32, #tpu.memory_space<hbm>>
    tpu.enqueue_dma source(%dma_start3A_11 : memref<40x128xi32, #tpu.memory_space<hbm>>) target(%dma_start3A_9 : memref<40x128xi32, #tpu.memory_space<vmem>>) target_semaphore(%arg9 : memref<!tpu.dma_semaphore, #tpu.memory_space<semaphore_mem>>)
    %dma_start3A_12 = arith.constant 40 : i32
    %dma_start3A_13 = arith.constant 0 : i32
    %dma_start3A_14 = tpu.memref_slice %arg5[%dma_start3A_12, %dma_start3A_13] : memref<200x128xi32, #tpu.memory_space<vmem>> -> memref<40x128xi32, #tpu.memory_space<vmem>>
    %dma_start3A_15 = arith.constant 40 : i32
    %dma_start3A_16 = tpu.memref_slice %arg2[%dma_start3A_15, %mul3A_2] : memref<200x4096xi32, #tpu.memory_space<hbm>> -> memref<40x128xi32, #tpu.memory_space<hbm>>
    %dma_start3A_17 = arith.constant 40 : i32
    %dma_start3A_18 = arith.constant 0 : i32
    %dma_start3A_19 = tpu.memref_slice %arg5[%dma_start3A_17, %dma_start3A_18] : memref<200x128xi32, #tpu.memory_space<vmem>> -> memref<40x128xi32, #tpu.memory_space<vmem>>
    %dma_start3A_20 = arith.constant 40 : i32
    %dma_start3A_21 = tpu.memref_slice %arg2[%dma_start3A_20, %mul3A_2] : memref<200x4096xi32, #tpu.memory_space<hbm>> -> memref<40x128xi32, #tpu.memory_space<hbm>>
    tpu.enqueue_dma source(%dma_start3A_21 : memref<40x128xi32, #tpu.memory_space<hbm>>) target(%dma_start3A_19 : memref<40x128xi32, #tpu.memory_space<vmem>>) target_semaphore(%arg10 : memref<!tpu.dma_semaphore, #tpu.memory_space<semaphore_mem>>)
    %dma_start3A_22 = arith.constant 80 : i32
    %dma_start3A_23 = arith.constant 0 : i32
    %dma_start3A_24 = tpu.memref_slice %arg5[%dma_start3A_22, %dma_start3A_23] : memref<200x128xi32, #tpu.memory_space<vmem>> -> memref<40x128xi32, #tpu.memory_space<vmem>>
    %dma_start3A_25 = arith.constant 80 : i32
    %dma_start3A_26 = tpu.memref_slice %arg2[%dma_start3A_25, %mul3A_2] : memref<200x4096xi32, #tpu.memory_space<hbm>> -> memref<40x128xi32, #tpu.memory_space<hbm>>
    %dma_start3A_27 = arith.constant 80 : i32
    %dma_start3A_28 = arith.constant 0 : i32
    %dma_start3A_29 = tpu.memref_slice %arg5[%dma_start3A_27, %dma_start3A_28] : memref<200x128xi32, #tpu.memory_space<vmem>> -> memref<40x128xi32, #tpu.memory_space<vmem>>
    %dma_start3A_30 = arith.constant 80 : i32
    %dma_start3A_31 = tpu.memref_slice %arg2[%dma_start3A_30, %mul3A_2] : memref<200x4096xi32, #tpu.memory_space<hbm>> -> memref<40x128xi32, #tpu.memory_space<hbm>>
    tpu.enqueue_dma source(%dma_start3A_31 : memref<40x128xi32, #tpu.memory_space<hbm>>) target(%dma_start3A_29 : memref<40x128xi32, #tpu.memory_space<vmem>>) target_semaphore(%arg11 : memref<!tpu.dma_semaphore, #tpu.memory_space<semaphore_mem>>)
    %dma_start3A_32 = arith.constant 120 : i32
    %dma_start3A_33 = arith.constant 0 : i32
    %dma_start3A_34 = tpu.memref_slice %arg5[%dma_start3A_32, %dma_start3A_33] : memref<200x128xi32, #tpu.memory_space<vmem>> -> memref<40x128xi32, #tpu.memory_space<vmem>>
    %dma_start3A_35 = arith.constant 120 : i32
    %dma_start3A_36 = tpu.memref_slice %arg2[%dma_start3A_35, %mul3A_2] : memref<200x4096xi32, #tpu.memory_space<hbm>> -> memref<40x128xi32, #tpu.memory_space<hbm>>
    %dma_start3A_37 = arith.constant 120 : i32
    %dma_start3A_38 = arith.constant 0 : i32
    %dma_start3A_39 = tpu.memref_slice %arg5[%dma_start3A_37, %dma_start3A_38] : memref<200x128xi32, #tpu.memory_space<vmem>> -> memref<40x128xi32, #tpu.memory_space<vmem>>
    %dma_start3A_40 = arith.constant 120 : i32
    %dma_start3A_41 = tpu.memref_slice %arg2[%dma_start3A_40, %mul3A_2] : memref<200x4096xi32, #tpu.memory_space<hbm>> -> memref<40x128xi32, #tpu.memory_space<hbm>>
    tpu.enqueue_dma source(%dma_start3A_41 : memref<40x128xi32, #tpu.memory_space<hbm>>) target(%dma_start3A_39 : memref<40x128xi32, #tpu.memory_space<vmem>>) target_semaphore(%arg12 : memref<!tpu.dma_semaphore, #tpu.memory_space<semaphore_mem>>)
    %dma_start3A_42 = arith.constant 160 : i32
    %dma_start3A_43 = arith.constant 0 : i32
    %dma_start3A_44 = tpu.memref_slice %arg5[%dma_start3A_42, %dma_start3A_43] : memref<200x128xi32, #tpu.memory_space<vmem>> -> memref<40x128xi32, #tpu.memory_space<vmem>>
    %dma_start3A_45 = arith.constant 160 : i32
    %dma_start3A_46 = tpu.memref_slice %arg2[%dma_start3A_45, %mul3A_2] : memref<200x4096xi32, #tpu.memory_space<hbm>> -> memref<40x128xi32, #tpu.memory_space<hbm>>
    %dma_start3A_47 = arith.constant 160 : i32
    %dma_start3A_48 = arith.constant 0 : i32
    %dma_start3A_49 = tpu.memref_slice %arg5[%dma_start3A_47, %dma_start3A_48] : memref<200x128xi32, #tpu.memory_space<vmem>> -> memref<40x128xi32, #tpu.memory_space<vmem>>
    %dma_start3A_50 = arith.constant 160 : i32
    %dma_start3A_51 = tpu.memref_slice %arg2[%dma_start3A_50, %mul3A_2] : memref<200x4096xi32, #tpu.memory_space<hbm>> -> memref<40x128xi32, #tpu.memory_space<hbm>>
    tpu.enqueue_dma source(%dma_start3A_51 : memref<40x128xi32, #tpu.memory_space<hbm>>) target(%dma_start3A_49 : memref<40x128xi32, #tpu.memory_space<vmem>>) target_semaphore(%arg13 : memref<!tpu.dma_semaphore, #tpu.memory_space<semaphore_mem>>)
    tpu.wait_dma2 semaphore(%arg8 : memref<!tpu.dma_semaphore, #tpu.memory_space<semaphore_mem>>) src(%arg3 : memref<25600xf32, #tpu.memory_space<hbm>>) dst(%arg6 : memref<25600xf32, #tpu.memory_space<vmem>>)
    %broadcast_in_dim3A = arith.constant 0.000000e+00 : f32
    %broadcast_in_dim3A_52 = vector.broadcast %broadcast_in_dim3A : f32 to vector<16xf32>
    %dma_wait3A = arith.constant 0 : i32
    %dma_wait3A_53 = arith.constant 0 : i32
    %dma_wait3A_54 = tpu.memref_slice %arg5[%dma_wait3A, %dma_wait3A_53] : memref<200x128xi32, #tpu.memory_space<vmem>> -> memref<40x128xi32, #tpu.memory_space<vmem>>
    %dma_wait3A_55 = arith.constant 0 : i32
    %dma_wait3A_56 = tpu.memref_slice %arg2[%dma_wait3A_55, %mul3A_2] : memref<200x4096xi32, #tpu.memory_space<hbm>> -> memref<40x128xi32, #tpu.memory_space<hbm>>
    %dma_wait3A_57 = arith.constant 0 : i32
    %dma_wait3A_58 = arith.constant 0 : i32
    %dma_wait3A_59 = tpu.memref_slice %arg5[%dma_wait3A_57, %dma_wait3A_58] : memref<200x128xi32, #tpu.memory_space<vmem>> -> memref<40x128xi32, #tpu.memory_space<vmem>>
    %dma_wait3A_60 = arith.constant 0 : i32
    %dma_wait3A_61 = tpu.memref_slice %arg2[%dma_wait3A_60, %mul3A_2] : memref<200x4096xi32, #tpu.memory_space<hbm>> -> memref<40x128xi32, #tpu.memory_space<hbm>>
    tpu.wait_dma2 semaphore(%arg9 : memref<!tpu.dma_semaphore, #tpu.memory_space<semaphore_mem>>) src(%dma_wait3A_61 : memref<40x128xi32, #tpu.memory_space<hbm>>) dst(%dma_wait3A_59 : memref<40x128xi32, #tpu.memory_space<vmem>>)
    %scan3A = arith.constant 0 : i32
    %scan3A_62 = arith.constant 40 : i32
    %scan3A_63 = arith.addi %scan3A, %scan3A_62 : i32
    %scan3A_64 = arith.constant 1 : i32
    %scan3A_65:8 = scf.for %scan3A_146 = %scan3A to %scan3A_63 step %scan3A_64 iter_args(%scan3A_147 = %broadcast_in_dim3A_52, %scan3A_148 = %broadcast_in_dim3A_52, %scan3A_149 = %broadcast_in_dim3A_52, %scan3A_150 = %broadcast_in_dim3A_52, %scan3A_151 = %broadcast_in_dim3A_52, %scan3A_152 = %broadcast_in_dim3A_52, %scan3A_153 = %broadcast_in_dim3A_52, %scan3A_154 = %broadcast_in_dim3A_52) -> (vector<16xf32>, vector<16xf32>, vector<16xf32>, vector<16xf32>, vector<16xf32>, vector<16xf32>, vector<16xf32>, vector<16xf32>)  : i32 {
      %get3A = arith.index_cast %scan3A_146 : i32 to index
      %get3A_155 = arith.constant 0 : index
      %get3A_156 = tpu.vector_load %arg5[%get3A, %get3A_155] {strides = array<i32>} : memref<200x128xi32, #tpu.memory_space<vmem>>, vector<16xi32>,
      %gather3A = tpu.vector_load_idx %arg6[%get3A_156] : memref<25600xf32, #tpu.memory_space<vmem>>[vector<16xi32>], vector<16xf32>,
      %add3A_157 = arith.addf %scan3A_147, %gather3A : vector<16xf32>
      %get3A_158 = arith.index_cast %scan3A_146 : i32 to index
      %get3A_159 = arith.constant 16 : index
      %get3A_160 = tpu.vector_load %arg5[%get3A_158, %get3A_159] {strides = array<i32>} : memref<200x128xi32, #tpu.memory_space<vmem>>, vector<16xi32>,
      %gather3A_161 = tpu.vector_load_idx %arg6[%get3A_160] : memref<25600xf32, #tpu.memory_space<vmem>>[vector<16xi32>], vector<16xf32>,
      %add3A_162 = arith.addf %scan3A_148, %gather3A_161 : vector<16xf32>
      %get3A_163 = arith.index_cast %scan3A_146 : i32 to index
      %get3A_164 = arith.constant 32 : index
      %get3A_165 = tpu.vector_load %arg5[%get3A_163, %get3A_164] {strides = array<i32>} : memref<200x128xi32, #tpu.memory_space<vmem>>, vector<16xi32>,
      %gather3A_166 = tpu.vector_load_idx %arg6[%get3A_165] : memref<25600xf32, #tpu.memory_space<vmem>>[vector<16xi32>], vector<16xf32>,
      %add3A_167 = arith.addf %scan3A_149, %gather3A_166 : vector<16xf32>
      %get3A_168 = arith.index_cast %scan3A_146 : i32 to index
      %get3A_169 = arith.constant 48 : index
      %get3A_170 = tpu.vector_load %arg5[%get3A_168, %get3A_169] {strides = array<i32>} : memref<200x128xi32, #tpu.memory_space<vmem>>, vector<16xi32>,
      %gather3A_171 = tpu.vector_load_idx %arg6[%get3A_170] : memref<25600xf32, #tpu.memory_space<vmem>>[vector<16xi32>], vector<16xf32>,
      %add3A_172 = arith.addf %scan3A_150, %gather3A_171 : vector<16xf32>
      %get3A_173 = arith.index_cast %scan3A_146 : i32 to index
      %get3A_174 = arith.constant 64 : index
      %get3A_175 = tpu.vector_load %arg5[%get3A_173, %get3A_174] {strides = array<i32>} : memref<200x128xi32, #tpu.memory_space<vmem>>, vector<16xi32>,
      %gather3A_176 = tpu.vector_load_idx %arg6[%get3A_175] : memref<25600xf32, #tpu.memory_space<vmem>>[vector<16xi32>], vector<16xf32>,
      %add3A_177 = arith.addf %scan3A_151, %gather3A_176 : vector<16xf32>
      %get3A_178 = arith.index_cast %scan3A_146 : i32 to index
      %get3A_179 = arith.constant 80 : index
      %get3A_180 = tpu.vector_load %arg5[%get3A_178, %get3A_179] {strides = array<i32>} : memref<200x128xi32, #tpu.memory_space<vmem>>, vector<16xi32>,
      %gather3A_181 = tpu.vector_load_idx %arg6[%get3A_180] : memref<25600xf32, #tpu.memory_space<vmem>>[vector<16xi32>], vector<16xf32>,
      %add3A_182 = arith.addf %scan3A_152, %gather3A_181 : vector<16xf32>
      %get3A_183 = arith.index_cast %scan3A_146 : i32 to index
      %get3A_184 = arith.constant 96 : index
      %get3A_185 = tpu.vector_load %arg5[%get3A_183, %get3A_184] {strides = array<i32>} : memref<200x128xi32, #tpu.memory_space<vmem>>, vector<16xi32>,
      %gather3A_186 = tpu.vector_load_idx %arg6[%get3A_185] : memref<25600xf32, #tpu.memory_space<vmem>>[vector<16xi32>], vector<16xf32>,
      %add3A_187 = arith.addf %scan3A_153, %gather3A_186 : vector<16xf32>
      %get3A_188 = arith.index_cast %scan3A_146 : i32 to index
      %get3A_189 = arith.constant 112 : index
      %get3A_190 = tpu.vector_load %arg5[%get3A_188, %get3A_189] {strides = array<i32>} : memref<200x128xi32, #tpu.memory_space<vmem>>, vector<16xi32>,
      %gather3A_191 = tpu.vector_load_idx %arg6[%get3A_190] : memref<25600xf32, #tpu.memory_space<vmem>>[vector<16xi32>], vector<16xf32>,
      %add3A_192 = arith.addf %scan3A_154, %gather3A_191 : vector<16xf32>
      scf.yield %add3A_157, %add3A_162, %add3A_167, %add3A_172, %add3A_177, %add3A_182, %add3A_187, %add3A_192 : vector<16xf32>, vector<16xf32>, vector<16xf32>, vector<16xf32>, vector<16xf32>, vector<16xf32>, vector<16xf32>, vector<16xf32>
    }
    %scan3A_66 = arith.constant 40 : i32
    %dma_wait3A_67 = arith.constant 40 : i32
    %dma_wait3A_68 = arith.constant 0 : i32
    %dma_wait3A_69 = tpu.memref_slice %arg5[%dma_wait3A_67, %dma_wait3A_68] : memref<200x128xi32, #tpu.memory_space<vmem>> -> memref<40x128xi32, #tpu.memory_space<vmem>>
    %dma_wait3A_70 = arith.constant 40 : i32
    %dma_wait3A_71 = tpu.memref_slice %arg2[%dma_wait3A_70, %mul3A_2] : memref<200x4096xi32, #tpu.memory_space<hbm>> -> memref<40x128xi32, #tpu.memory_space<hbm>>
    %dma_wait3A_72 = arith.constant 40 : i32
    %dma_wait3A_73 = arith.constant 0 : i32
    %dma_wait3A_74 = tpu.memref_slice %arg5[%dma_wait3A_72, %dma_wait3A_73] : memref<200x128xi32, #tpu.memory_space<vmem>> -> memref<40x128xi32, #tpu.memory_space<vmem>>
    %dma_wait3A_75 = arith.constant 40 : i32
    %dma_wait3A_76 = tpu.memref_slice %arg2[%dma_wait3A_75, %mul3A_2] : memref<200x4096xi32, #tpu.memory_space<hbm>> -> memref<40x128xi32, #tpu.memory_space<hbm>>
    tpu.wait_dma2 semaphore(%arg10 : memref<!tpu.dma_semaphore, #tpu.memory_space<semaphore_mem>>) src(%dma_wait3A_76 : memref<40x128xi32, #tpu.memory_space<hbm>>) dst(%dma_wait3A_74 : memref<40x128xi32, #tpu.memory_space<vmem>>)
    %scan3A_77 = arith.constant 40 : i32
    %scan3A_78 = arith.constant 40 : i32
    %scan3A_79 = arith.addi %scan3A_77, %scan3A_78 : i32
    %scan3A_80 = arith.constant 1 : i32
    %scan3A_81:8 = scf.for %scan3A_146 = %scan3A_77 to %scan3A_79 step %scan3A_80 iter_args(%scan3A_147 = %scan3A_65#0, %scan3A_148 = %scan3A_65#1, %scan3A_149 = %scan3A_65#2, %scan3A_150 = %scan3A_65#3, %scan3A_151 = %scan3A_65#4, %scan3A_152 = %scan3A_65#5, %scan3A_153 = %scan3A_65#6, %scan3A_154 = %scan3A_65#7) -> (vector<16xf32>, vector<16xf32>, vector<16xf32>, vector<16xf32>, vector<16xf32>, vector<16xf32>, vector<16xf32>, vector<16xf32>)  : i32 {
      %get3A = arith.index_cast %scan3A_146 : i32 to index
      %get3A_155 = arith.constant 0 : index
      %get3A_156 = tpu.vector_load %arg5[%get3A, %get3A_155] {strides = array<i32>} : memref<200x128xi32, #tpu.memory_space<vmem>>, vector<16xi32>,
      %gather3A = tpu.vector_load_idx %arg6[%get3A_156] : memref<25600xf32, #tpu.memory_space<vmem>>[vector<16xi32>], vector<16xf32>,
      %add3A_157 = arith.addf %scan3A_147, %gather3A : vector<16xf32>
      %get3A_158 = arith.index_cast %scan3A_146 : i32 to index
      %get3A_159 = arith.constant 16 : index
      %get3A_160 = tpu.vector_load %arg5[%get3A_158, %get3A_159] {strides = array<i32>} : memref<200x128xi32, #tpu.memory_space<vmem>>, vector<16xi32>,
      %gather3A_161 = tpu.vector_load_idx %arg6[%get3A_160] : memref<25600xf32, #tpu.memory_space<vmem>>[vector<16xi32>], vector<16xf32>,
      %add3A_162 = arith.addf %scan3A_148, %gather3A_161 : vector<16xf32>
      %get3A_163 = arith.index_cast %scan3A_146 : i32 to index
      %get3A_164 = arith.constant 32 : index
      %get3A_165 = tpu.vector_load %arg5[%get3A_163, %get3A_164] {strides = array<i32>} : memref<200x128xi32, #tpu.memory_space<vmem>>, vector<16xi32>,
      %gather3A_166 = tpu.vector_load_idx %arg6[%get3A_165] : memref<25600xf32, #tpu.memory_space<vmem>>[vector<16xi32>], vector<16xf32>,
      %add3A_167 = arith.addf %scan3A_149, %gather3A_166 : vector<16xf32>
      %get3A_168 = arith.index_cast %scan3A_146 : i32 to index
      %get3A_169 = arith.constant 48 : index
      %get3A_170 = tpu.vector_load %arg5[%get3A_168, %get3A_169] {strides = array<i32>} : memref<200x128xi32, #tpu.memory_space<vmem>>, vector<16xi32>,
      %gather3A_171 = tpu.vector_load_idx %arg6[%get3A_170] : memref<25600xf32, #tpu.memory_space<vmem>>[vector<16xi32>], vector<16xf32>,
      %add3A_172 = arith.addf %scan3A_150, %gather3A_171 : vector<16xf32>
      %get3A_173 = arith.index_cast %scan3A_146 : i32 to index
      %get3A_174 = arith.constant 64 : index
      %get3A_175 = tpu.vector_load %arg5[%get3A_173, %get3A_174] {strides = array<i32>} : memref<200x128xi32, #tpu.memory_space<vmem>>, vector<16xi32>,
      %gather3A_176 = tpu.vector_load_idx %arg6[%get3A_175] : memref<25600xf32, #tpu.memory_space<vmem>>[vector<16xi32>], vector<16xf32>,
      %add3A_177 = arith.addf %scan3A_151, %gather3A_176 : vector<16xf32>
      %get3A_178 = arith.index_cast %scan3A_146 : i32 to index
      %get3A_179 = arith.constant 80 : index
      %get3A_180 = tpu.vector_load %arg5[%get3A_178, %get3A_179] {strides = array<i32>} : memref<200x128xi32, #tpu.memory_space<vmem>>, vector<16xi32>,
      %gather3A_181 = tpu.vector_load_idx %arg6[%get3A_180] : memref<25600xf32, #tpu.memory_space<vmem>>[vector<16xi32>], vector<16xf32>,
      %add3A_182 = arith.addf %scan3A_152, %gather3A_181 : vector<16xf32>
      %get3A_183 = arith.index_cast %scan3A_146 : i32 to index
      %get3A_184 = arith.constant 96 : index
      %get3A_185 = tpu.vector_load %arg5[%get3A_183, %get3A_184] {strides = array<i32>} : memref<200x128xi32, #tpu.memory_space<vmem>>, vector<16xi32>,
      %gather3A_186 = tpu.vector_load_idx %arg6[%get3A_185] : memref<25600xf32, #tpu.memory_space<vmem>>[vector<16xi32>], vector<16xf32>,
      %add3A_187 = arith.addf %scan3A_153, %gather3A_186 : vector<16xf32>
      %get3A_188 = arith.index_cast %scan3A_146 : i32 to index
      %get3A_189 = arith.constant 112 : index
      %get3A_190 = tpu.vector_load %arg5[%get3A_188, %get3A_189] {strides = array<i32>} : memref<200x128xi32, #tpu.memory_space<vmem>>, vector<16xi32>,
      %gather3A_191 = tpu.vector_load_idx %arg6[%get3A_190] : memref<25600xf32, #tpu.memory_space<vmem>>[vector<16xi32>], vector<16xf32>,
      %add3A_192 = arith.addf %scan3A_154, %gather3A_191 : vector<16xf32>
      scf.yield %add3A_157, %add3A_162, %add3A_167, %add3A_172, %add3A_177, %add3A_182, %add3A_187, %add3A_192 : vector<16xf32>, vector<16xf32>, vector<16xf32>, vector<16xf32>, vector<16xf32>, vector<16xf32>, vector<16xf32>, vector<16xf32>
    }
    %scan3A_82 = arith.constant 40 : i32
    %dma_wait3A_83 = arith.constant 80 : i32
    %dma_wait3A_84 = arith.constant 0 : i32
    %dma_wait3A_85 = tpu.memref_slice %arg5[%dma_wait3A_83, %dma_wait3A_84] : memref<200x128xi32, #tpu.memory_space<vmem>> -> memref<40x128xi32, #tpu.memory_space<vmem>>
    %dma_wait3A_86 = arith.constant 80 : i32
    %dma_wait3A_87 = tpu.memref_slice %arg2[%dma_wait3A_86, %mul3A_2] : memref<200x4096xi32, #tpu.memory_space<hbm>> -> memref<40x128xi32, #tpu.memory_space<hbm>>
    %dma_wait3A_88 = arith.constant 80 : i32
    %dma_wait3A_89 = arith.constant 0 : i32
    %dma_wait3A_90 = tpu.memref_slice %arg5[%dma_wait3A_88, %dma_wait3A_89] : memref<200x128xi32, #tpu.memory_space<vmem>> -> memref<40x128xi32, #tpu.memory_space<vmem>>
    %dma_wait3A_91 = arith.constant 80 : i32
    %dma_wait3A_92 = tpu.memref_slice %arg2[%dma_wait3A_91, %mul3A_2] : memref<200x4096xi32, #tpu.memory_space<hbm>> -> memref<40x128xi32, #tpu.memory_space<hbm>>
    tpu.wait_dma2 semaphore(%arg11 : memref<!tpu.dma_semaphore, #tpu.memory_space<semaphore_mem>>) src(%dma_wait3A_92 : memref<40x128xi32, #tpu.memory_space<hbm>>) dst(%dma_wait3A_90 : memref<40x128xi32, #tpu.memory_space<vmem>>)
    %scan3A_93 = arith.constant 80 : i32
    %scan3A_94 = arith.constant 40 : i32
    %scan3A_95 = arith.addi %scan3A_93, %scan3A_94 : i32
    %scan3A_96 = arith.constant 1 : i32
    %scan3A_97:8 = scf.for %scan3A_146 = %scan3A_93 to %scan3A_95 step %scan3A_96 iter_args(%scan3A_147 = %scan3A_81#0, %scan3A_148 = %scan3A_81#1, %scan3A_149 = %scan3A_81#2, %scan3A_150 = %scan3A_81#3, %scan3A_151 = %scan3A_81#4, %scan3A_152 = %scan3A_81#5, %scan3A_153 = %scan3A_81#6, %scan3A_154 = %scan3A_81#7) -> (vector<16xf32>, vector<16xf32>, vector<16xf32>, vector<16xf32>, vector<16xf32>, vector<16xf32>, vector<16xf32>, vector<16xf32>)  : i32 {
      %get3A = arith.index_cast %scan3A_146 : i32 to index
      %get3A_155 = arith.constant 0 : index
      %get3A_156 = tpu.vector_load %arg5[%get3A, %get3A_155] {strides = array<i32>} : memref<200x128xi32, #tpu.memory_space<vmem>>, vector<16xi32>,
      %gather3A = tpu.vector_load_idx %arg6[%get3A_156] : memref<25600xf32, #tpu.memory_space<vmem>>[vector<16xi32>], vector<16xf32>,
      %add3A_157 = arith.addf %scan3A_147, %gather3A : vector<16xf32>
      %get3A_158 = arith.index_cast %scan3A_146 : i32 to index
      %get3A_159 = arith.constant 16 : index
      %get3A_160 = tpu.vector_load %arg5[%get3A_158, %get3A_159] {strides = array<i32>} : memref<200x128xi32, #tpu.memory_space<vmem>>, vector<16xi32>,
      %gather3A_161 = tpu.vector_load_idx %arg6[%get3A_160] : memref<25600xf32, #tpu.memory_space<vmem>>[vector<16xi32>], vector<16xf32>,
      %add3A_162 = arith.addf %scan3A_148, %gather3A_161 : vector<16xf32>
      %get3A_163 = arith.index_cast %scan3A_146 : i32 to index
      %get3A_164 = arith.constant 32 : index
      %get3A_165 = tpu.vector_load %arg5[%get3A_163, %get3A_164] {strides = array<i32>} : memref<200x128xi32, #tpu.memory_space<vmem>>, vector<16xi32>,
      %gather3A_166 = tpu.vector_load_idx %arg6[%get3A_165] : memref<25600xf32, #tpu.memory_space<vmem>>[vector<16xi32>], vector<16xf32>,
      %add3A_167 = arith.addf %scan3A_149, %gather3A_166 : vector<16xf32>
      %get3A_168 = arith.index_cast %scan3A_146 : i32 to index
      %get3A_169 = arith.constant 48 : index
      %get3A_170 = tpu.vector_load %arg5[%get3A_168, %get3A_169] {strides = array<i32>} : memref<200x128xi32, #tpu.memory_space<vmem>>, vector<16xi32>,
      %gather3A_171 = tpu.vector_load_idx %arg6[%get3A_170] : memref<25600xf32, #tpu.memory_space<vmem>>[vector<16xi32>], vector<16xf32>,
      %add3A_172 = arith.addf %scan3A_150, %gather3A_171 : vector<16xf32>
      %get3A_173 = arith.index_cast %scan3A_146 : i32 to index
      %get3A_174 = arith.constant 64 : index
      %get3A_175 = tpu.vector_load %arg5[%get3A_173, %get3A_174] {strides = array<i32>} : memref<200x128xi32, #tpu.memory_space<vmem>>, vector<16xi32>,
      %gather3A_176 = tpu.vector_load_idx %arg6[%get3A_175] : memref<25600xf32, #tpu.memory_space<vmem>>[vector<16xi32>], vector<16xf32>,
      %add3A_177 = arith.addf %scan3A_151, %gather3A_176 : vector<16xf32>
      %get3A_178 = arith.index_cast %scan3A_146 : i32 to index
      %get3A_179 = arith.constant 80 : index
      %get3A_180 = tpu.vector_load %arg5[%get3A_178, %get3A_179] {strides = array<i32>} : memref<200x128xi32, #tpu.memory_space<vmem>>, vector<16xi32>,
      %gather3A_181 = tpu.vector_load_idx %arg6[%get3A_180] : memref<25600xf32, #tpu.memory_space<vmem>>[vector<16xi32>], vector<16xf32>,
      %add3A_182 = arith.addf %scan3A_152, %gather3A_181 : vector<16xf32>
      %get3A_183 = arith.index_cast %scan3A_146 : i32 to index
      %get3A_184 = arith.constant 96 : index
      %get3A_185 = tpu.vector_load %arg5[%get3A_183, %get3A_184] {strides = array<i32>} : memref<200x128xi32, #tpu.memory_space<vmem>>, vector<16xi32>,
      %gather3A_186 = tpu.vector_load_idx %arg6[%get3A_185] : memref<25600xf32, #tpu.memory_space<vmem>>[vector<16xi32>], vector<16xf32>,
      %add3A_187 = arith.addf %scan3A_153, %gather3A_186 : vector<16xf32>
      %get3A_188 = arith.index_cast %scan3A_146 : i32 to index
      %get3A_189 = arith.constant 112 : index
      %get3A_190 = tpu.vector_load %arg5[%get3A_188, %get3A_189] {strides = array<i32>} : memref<200x128xi32, #tpu.memory_space<vmem>>, vector<16xi32>,
      %gather3A_191 = tpu.vector_load_idx %arg6[%get3A_190] : memref<25600xf32, #tpu.memory_space<vmem>>[vector<16xi32>], vector<16xf32>,
      %add3A_192 = arith.addf %scan3A_154, %gather3A_191 : vector<16xf32>
      scf.yield %add3A_157, %add3A_162, %add3A_167, %add3A_172, %add3A_177, %add3A_182, %add3A_187, %add3A_192 : vector<16xf32>, vector<16xf32>, vector<16xf32>, vector<16xf32>, vector<16xf32>, vector<16xf32>, vector<16xf32>, vector<16xf32>
    }
    %scan3A_98 = arith.constant 40 : i32
    %dma_wait3A_99 = arith.constant 120 : i32
    %dma_wait3A_100 = arith.constant 0 : i32
    %dma_wait3A_101 = tpu.memref_slice %arg5[%dma_wait3A_99, %dma_wait3A_100] : memref<200x128xi32, #tpu.memory_space<vmem>> -> memref<40x128xi32, #tpu.memory_space<vmem>>
    %dma_wait3A_102 = arith.constant 120 : i32
    %dma_wait3A_103 = tpu.memref_slice %arg2[%dma_wait3A_102, %mul3A_2] : memref<200x4096xi32, #tpu.memory_space<hbm>> -> memref<40x128xi32, #tpu.memory_space<hbm>>
    %dma_wait3A_104 = arith.constant 120 : i32
    %dma_wait3A_105 = arith.constant 0 : i32
    %dma_wait3A_106 = tpu.memref_slice %arg5[%dma_wait3A_104, %dma_wait3A_105] : memref<200x128xi32, #tpu.memory_space<vmem>> -> memref<40x128xi32, #tpu.memory_space<vmem>>
    %dma_wait3A_107 = arith.constant 120 : i32
    %dma_wait3A_108 = tpu.memref_slice %arg2[%dma_wait3A_107, %mul3A_2] : memref<200x4096xi32, #tpu.memory_space<hbm>> -> memref<40x128xi32, #tpu.memory_space<hbm>>
    tpu.wait_dma2 semaphore(%arg12 : memref<!tpu.dma_semaphore, #tpu.memory_space<semaphore_mem>>) src(%dma_wait3A_108 : memref<40x128xi32, #tpu.memory_space<hbm>>) dst(%dma_wait3A_106 : memref<40x128xi32, #tpu.memory_space<vmem>>)
    %scan3A_109 = arith.constant 120 : i32
    %scan3A_110 = arith.constant 40 : i32
    %scan3A_111 = arith.addi %scan3A_109, %scan3A_110 : i32
    %scan3A_112 = arith.constant 1 : i32
    %scan3A_113:8 = scf.for %scan3A_146 = %scan3A_109 to %scan3A_111 step %scan3A_112 iter_args(%scan3A_147 = %scan3A_97#0, %scan3A_148 = %scan3A_97#1, %scan3A_149 = %scan3A_97#2, %scan3A_150 = %scan3A_97#3, %scan3A_151 = %scan3A_97#4, %scan3A_152 = %scan3A_97#5, %scan3A_153 = %scan3A_97#6, %scan3A_154 = %scan3A_97#7) -> (vector<16xf32>, vector<16xf32>, vector<16xf32>, vector<16xf32>, vector<16xf32>, vector<16xf32>, vector<16xf32>, vector<16xf32>)  : i32 {
      %get3A = arith.index_cast %scan3A_146 : i32 to index
      %get3A_155 = arith.constant 0 : index
      %get3A_156 = tpu.vector_load %arg5[%get3A, %get3A_155] {strides = array<i32>} : memref<200x128xi32, #tpu.memory_space<vmem>>, vector<16xi32>,
      %gather3A = tpu.vector_load_idx %arg6[%get3A_156] : memref<25600xf32, #tpu.memory_space<vmem>>[vector<16xi32>], vector<16xf32>,
      %add3A_157 = arith.addf %scan3A_147, %gather3A : vector<16xf32>
      %get3A_158 = arith.index_cast %scan3A_146 : i32 to index
      %get3A_159 = arith.constant 16 : index
      %get3A_160 = tpu.vector_load %arg5[%get3A_158, %get3A_159] {strides = array<i32>} : memref<200x128xi32, #tpu.memory_space<vmem>>, vector<16xi32>,
      %gather3A_161 = tpu.vector_load_idx %arg6[%get3A_160] : memref<25600xf32, #tpu.memory_space<vmem>>[vector<16xi32>], vector<16xf32>,
      %add3A_162 = arith.addf %scan3A_148, %gather3A_161 : vector<16xf32>
      %get3A_163 = arith.index_cast %scan3A_146 : i32 to index
      %get3A_164 = arith.constant 32 : index
      %get3A_165 = tpu.vector_load %arg5[%get3A_163, %get3A_164] {strides = array<i32>} : memref<200x128xi32, #tpu.memory_space<vmem>>, vector<16xi32>,
      %gather3A_166 = tpu.vector_load_idx %arg6[%get3A_165] : memref<25600xf32, #tpu.memory_space<vmem>>[vector<16xi32>], vector<16xf32>,
      %add3A_167 = arith.addf %scan3A_149, %gather3A_166 : vector<16xf32>
      %get3A_168 = arith.index_cast %scan3A_146 : i32 to index
      %get3A_169 = arith.constant 48 : index
      %get3A_170 = tpu.vector_load %arg5[%get3A_168, %get3A_169] {strides = array<i32>} : memref<200x128xi32, #tpu.memory_space<vmem>>, vector<16xi32>,
      %gather3A_171 = tpu.vector_load_idx %arg6[%get3A_170] : memref<25600xf32, #tpu.memory_space<vmem>>[vector<16xi32>], vector<16xf32>,
      %add3A_172 = arith.addf %scan3A_150, %gather3A_171 : vector<16xf32>
      %get3A_173 = arith.index_cast %scan3A_146 : i32 to index
      %get3A_174 = arith.constant 64 : index
      %get3A_175 = tpu.vector_load %arg5[%get3A_173, %get3A_174] {strides = array<i32>} : memref<200x128xi32, #tpu.memory_space<vmem>>, vector<16xi32>,
      %gather3A_176 = tpu.vector_load_idx %arg6[%get3A_175] : memref<25600xf32, #tpu.memory_space<vmem>>[vector<16xi32>], vector<16xf32>,
      %add3A_177 = arith.addf %scan3A_151, %gather3A_176 : vector<16xf32>
      %get3A_178 = arith.index_cast %scan3A_146 : i32 to index
      %get3A_179 = arith.constant 80 : index
      %get3A_180 = tpu.vector_load %arg5[%get3A_178, %get3A_179] {strides = array<i32>} : memref<200x128xi32, #tpu.memory_space<vmem>>, vector<16xi32>,
      %gather3A_181 = tpu.vector_load_idx %arg6[%get3A_180] : memref<25600xf32, #tpu.memory_space<vmem>>[vector<16xi32>], vector<16xf32>,
      %add3A_182 = arith.addf %scan3A_152, %gather3A_181 : vector<16xf32>
      %get3A_183 = arith.index_cast %scan3A_146 : i32 to index
      %get3A_184 = arith.constant 96 : index
      %get3A_185 = tpu.vector_load %arg5[%get3A_183, %get3A_184] {strides = array<i32>} : memref<200x128xi32, #tpu.memory_space<vmem>>, vector<16xi32>,
      %gather3A_186 = tpu.vector_load_idx %arg6[%get3A_185] : memref<25600xf32, #tpu.memory_space<vmem>>[vector<16xi32>], vector<16xf32>,
      %add3A_187 = arith.addf %scan3A_153, %gather3A_186 : vector<16xf32>
      %get3A_188 = arith.index_cast %scan3A_146 : i32 to index
      %get3A_189 = arith.constant 112 : index
      %get3A_190 = tpu.vector_load %arg5[%get3A_188, %get3A_189] {strides = array<i32>} : memref<200x128xi32, #tpu.memory_space<vmem>>, vector<16xi32>,
      %gather3A_191 = tpu.vector_load_idx %arg6[%get3A_190] : memref<25600xf32, #tpu.memory_space<vmem>>[vector<16xi32>], vector<16xf32>,
      %add3A_192 = arith.addf %scan3A_154, %gather3A_191 : vector<16xf32>
      scf.yield %add3A_157, %add3A_162, %add3A_167, %add3A_172, %add3A_177, %add3A_182, %add3A_187, %add3A_192 : vector<16xf32>, vector<16xf32>, vector<16xf32>, vector<16xf32>, vector<16xf32>, vector<16xf32>, vector<16xf32>, vector<16xf32>
    }
    %scan3A_114 = arith.constant 40 : i32
    %dma_wait3A_115 = arith.constant 160 : i32
    %dma_wait3A_116 = arith.constant 0 : i32
    %dma_wait3A_117 = tpu.memref_slice %arg5[%dma_wait3A_115, %dma_wait3A_116] : memref<200x128xi32, #tpu.memory_space<vmem>> -> memref<40x128xi32, #tpu.memory_space<vmem>>
    %dma_wait3A_118 = arith.constant 160 : i32
    %dma_wait3A_119 = tpu.memref_slice %arg2[%dma_wait3A_118, %mul3A_2] : memref<200x4096xi32, #tpu.memory_space<hbm>> -> memref<40x128xi32, #tpu.memory_space<hbm>>
    %dma_wait3A_120 = arith.constant 160 : i32
    %dma_wait3A_121 = arith.constant 0 : i32
    %dma_wait3A_122 = tpu.memref_slice %arg5[%dma_wait3A_120, %dma_wait3A_121] : memref<200x128xi32, #tpu.memory_space<vmem>> -> memref<40x128xi32, #tpu.memory_space<vmem>>
    %dma_wait3A_123 = arith.constant 160 : i32
    %dma_wait3A_124 = tpu.memref_slice %arg2[%dma_wait3A_123, %mul3A_2] : memref<200x4096xi32, #tpu.memory_space<hbm>> -> memref<40x128xi32, #tpu.memory_space<hbm>>
    tpu.wait_dma2 semaphore(%arg13 : memref<!tpu.dma_semaphore, #tpu.memory_space<semaphore_mem>>) src(%dma_wait3A_124 : memref<40x128xi32, #tpu.memory_space<hbm>>) dst(%dma_wait3A_122 : memref<40x128xi32, #tpu.memory_space<vmem>>)
    %scan3A_125 = arith.constant 160 : i32
    %scan3A_126 = arith.constant 40 : i32
    %scan3A_127 = arith.addi %scan3A_125, %scan3A_126 : i32
    %scan3A_128 = arith.constant 1 : i32
    %scan3A_129:8 = scf.for %scan3A_146 = %scan3A_125 to %scan3A_127 step %scan3A_128 iter_args(%scan3A_147 = %scan3A_113#0, %scan3A_148 = %scan3A_113#1, %scan3A_149 = %scan3A_113#2, %scan3A_150 = %scan3A_113#3, %scan3A_151 = %scan3A_113#4, %scan3A_152 = %scan3A_113#5, %scan3A_153 = %scan3A_113#6, %scan3A_154 = %scan3A_113#7) -> (vector<16xf32>, vector<16xf32>, vector<16xf32>, vector<16xf32>, vector<16xf32>, vector<16xf32>, vector<16xf32>, vector<16xf32>)  : i32 {
      %get3A = arith.index_cast %scan3A_146 : i32 to index
      %get3A_155 = arith.constant 0 : index
      %get3A_156 = tpu.vector_load %arg5[%get3A, %get3A_155] {strides = array<i32>} : memref<200x128xi32, #tpu.memory_space<vmem>>, vector<16xi32>,
      %gather3A = tpu.vector_load_idx %arg6[%get3A_156] : memref<25600xf32, #tpu.memory_space<vmem>>[vector<16xi32>], vector<16xf32>,
      %add3A_157 = arith.addf %scan3A_147, %gather3A : vector<16xf32>
      %get3A_158 = arith.index_cast %scan3A_146 : i32 to index
      %get3A_159 = arith.constant 16 : index
      %get3A_160 = tpu.vector_load %arg5[%get3A_158, %get3A_159] {strides = array<i32>} : memref<200x128xi32, #tpu.memory_space<vmem>>, vector<16xi32>,
      %gather3A_161 = tpu.vector_load_idx %arg6[%get3A_160] : memref<25600xf32, #tpu.memory_space<vmem>>[vector<16xi32>], vector<16xf32>,
      %add3A_162 = arith.addf %scan3A_148, %gather3A_161 : vector<16xf32>
      %get3A_163 = arith.index_cast %scan3A_146 : i32 to index
      %get3A_164 = arith.constant 32 : index
      %get3A_165 = tpu.vector_load %arg5[%get3A_163, %get3A_164] {strides = array<i32>} : memref<200x128xi32, #tpu.memory_space<vmem>>, vector<16xi32>,
      %gather3A_166 = tpu.vector_load_idx %arg6[%get3A_165] : memref<25600xf32, #tpu.memory_space<vmem>>[vector<16xi32>], vector<16xf32>,
      %add3A_167 = arith.addf %scan3A_149, %gather3A_166 : vector<16xf32>
      %get3A_168 = arith.index_cast %scan3A_146 : i32 to index
      %get3A_169 = arith.constant 48 : index
      %get3A_170 = tpu.vector_load %arg5[%get3A_168, %get3A_169] {strides = array<i32>} : memref<200x128xi32, #tpu.memory_space<vmem>>, vector<16xi32>,
      %gather3A_171 = tpu.vector_load_idx %arg6[%get3A_170] : memref<25600xf32, #tpu.memory_space<vmem>>[vector<16xi32>], vector<16xf32>,
      %add3A_172 = arith.addf %scan3A_150, %gather3A_171 : vector<16xf32>
      %get3A_173 = arith.index_cast %scan3A_146 : i32 to index
      %get3A_174 = arith.constant 64 : index
      %get3A_175 = tpu.vector_load %arg5[%get3A_173, %get3A_174] {strides = array<i32>} : memref<200x128xi32, #tpu.memory_space<vmem>>, vector<16xi32>,
      %gather3A_176 = tpu.vector_load_idx %arg6[%get3A_175] : memref<25600xf32, #tpu.memory_space<vmem>>[vector<16xi32>], vector<16xf32>,
      %add3A_177 = arith.addf %scan3A_151, %gather3A_176 : vector<16xf32>
      %get3A_178 = arith.index_cast %scan3A_146 : i32 to index
      %get3A_179 = arith.constant 80 : index
      %get3A_180 = tpu.vector_load %arg5[%get3A_178, %get3A_179] {strides = array<i32>} : memref<200x128xi32, #tpu.memory_space<vmem>>, vector<16xi32>,
      %gather3A_181 = tpu.vector_load_idx %arg6[%get3A_180] : memref<25600xf32, #tpu.memory_space<vmem>>[vector<16xi32>], vector<16xf32>,
      %add3A_182 = arith.addf %scan3A_152, %gather3A_181 : vector<16xf32>
      %get3A_183 = arith.index_cast %scan3A_146 : i32 to index
      %get3A_184 = arith.constant 96 : index
      %get3A_185 = tpu.vector_load %arg5[%get3A_183, %get3A_184] {strides = array<i32>} : memref<200x128xi32, #tpu.memory_space<vmem>>, vector<16xi32>,
      %gather3A_186 = tpu.vector_load_idx %arg6[%get3A_185] : memref<25600xf32, #tpu.memory_space<vmem>>[vector<16xi32>], vector<16xf32>,
      %add3A_187 = arith.addf %scan3A_153, %gather3A_186 : vector<16xf32>
      %get3A_188 = arith.index_cast %scan3A_146 : i32 to index
      %get3A_189 = arith.constant 112 : index
      %get3A_190 = tpu.vector_load %arg5[%get3A_188, %get3A_189] {strides = array<i32>} : memref<200x128xi32, #tpu.memory_space<vmem>>, vector<16xi32>,
      %gather3A_191 = tpu.vector_load_idx %arg6[%get3A_190] : memref<25600xf32, #tpu.memory_space<vmem>>[vector<16xi32>], vector<16xf32>,
      %add3A_192 = arith.addf %scan3A_154, %gather3A_191 : vector<16xf32>
      scf.yield %add3A_157, %add3A_162, %add3A_167, %add3A_172, %add3A_177, %add3A_182, %add3A_187, %add3A_192 : vector<16xf32>, vector<16xf32>, vector<16xf32>, vector<16xf32>, vector<16xf32>, vector<16xf32>, vector<16xf32>, vector<16xf32>
    }
    %scan3A_130 = arith.constant 40 : i32
    %swap3A = arith.constant 0 : index
    %swap3A_131 = tpu.vector_load %arg7[%swap3A] {strides = array<i32>} : memref<128xf32, #tpu.memory_space<vmem>>, vector<16xf32>,
    tpu.vector_store %arg7[%swap3A], %scan3A_129#0 {strides = array<i32>} : memref<128xf32, #tpu.memory_space<vmem>>, vector<16xf32>,
    %swap3A_132 = arith.constant 16 : index
    %swap3A_133 = tpu.vector_load %arg7[%swap3A_132] {strides = array<i32>} : memref<128xf32, #tpu.memory_space<vmem>>, vector<16xf32>,
    tpu.vector_store %arg7[%swap3A_132], %scan3A_129#1 {strides = array<i32>} : memref<128xf32, #tpu.memory_space<vmem>>, vector<16xf32>,
    %swap3A_134 = arith.constant 32 : index
    %swap3A_135 = tpu.vector_load %arg7[%swap3A_134] {strides = array<i32>} : memref<128xf32, #tpu.memory_space<vmem>>, vector<16xf32>,
    tpu.vector_store %arg7[%swap3A_134], %scan3A_129#2 {strides = array<i32>} : memref<128xf32, #tpu.memory_space<vmem>>, vector<16xf32>,
    %swap3A_136 = arith.constant 48 : index
    %swap3A_137 = tpu.vector_load %arg7[%swap3A_136] {strides = array<i32>} : memref<128xf32, #tpu.memory_space<vmem>>, vector<16xf32>,
    tpu.vector_store %arg7[%swap3A_136], %scan3A_129#3 {strides = array<i32>} : memref<128xf32, #tpu.memory_space<vmem>>, vector<16xf32>,
    %swap3A_138 = arith.constant 64 : index
    %swap3A_139 = tpu.vector_load %arg7[%swap3A_138] {strides = array<i32>} : memref<128xf32, #tpu.memory_space<vmem>>, vector<16xf32>,
    tpu.vector_store %arg7[%swap3A_138], %scan3A_129#4 {strides = array<i32>} : memref<128xf32, #tpu.memory_space<vmem>>, vector<16xf32>,
    %swap3A_140 = arith.constant 80 : index
    %swap3A_141 = tpu.vector_load %arg7[%swap3A_140] {strides = array<i32>} : memref<128xf32, #tpu.memory_space<vmem>>, vector<16xf32>,
    tpu.vector_store %arg7[%swap3A_140], %scan3A_129#5 {strides = array<i32>} : memref<128xf32, #tpu.memory_space<vmem>>, vector<16xf32>,
    %swap3A_142 = arith.constant 96 : index
    %swap3A_143 = tpu.vector_load %arg7[%swap3A_142] {strides = array<i32>} : memref<128xf32, #tpu.memory_space<vmem>>, vector<16xf32>,
    tpu.vector_store %arg7[%swap3A_142], %scan3A_129#6 {strides = array<i32>} : memref<128xf32, #tpu.memory_space<vmem>>, vector<16xf32>,
    %swap3A_144 = arith.constant 112 : index
    %swap3A_145 = tpu.vector_load %arg7[%swap3A_144] {strides = array<i32>} : memref<128xf32, #tpu.memory_space<vmem>>, vector<16xf32>,
    tpu.vector_store %arg7[%swap3A_144], %scan3A_129#7 {strides = array<i32>} : memref<128xf32, #tpu.memory_space<vmem>>, vector<16xf32>,
    "tpu.region"() ({
      %run_scoped3A = tpu.sem_alloc : memref<!tpu.dma_semaphore, #tpu.memory_space<semaphore_mem>>
      %dma_start3A_146 = tpu.memref_slice %arg4[%mul3A_2] : memref<4096xf32, #tpu.memory_space<hbm>> -> memref<128xf32, #tpu.memory_space<hbm>>
      %dma_start3A_147 = tpu.memref_slice %arg4[%mul3A_2] : memref<4096xf32, #tpu.memory_space<hbm>> -> memref<128xf32, #tpu.memory_space<hbm>>
      tpu.enqueue_dma source(%arg7 : memref<128xf32, #tpu.memory_space<vmem>>) target(%dma_start3A_147 : memref<128xf32, #tpu.memory_space<hbm>>) target_semaphore(%run_scoped3A : memref<!tpu.dma_semaphore, #tpu.memory_space<semaphore_mem>>)
      %dma_wait3A_148 = tpu.memref_slice %arg4[%mul3A_2] : memref<4096xf32, #tpu.memory_space<hbm>> -> memref<128xf32, #tpu.memory_space<hbm>>
      %dma_wait3A_149 = tpu.memref_slice %arg4[%mul3A_2] : memref<4096xf32, #tpu.memory_space<hbm>> -> memref<128xf32, #tpu.memory_space<hbm>>
      tpu.wait_dma2 semaphore(%run_scoped3A : memref<!tpu.dma_semaphore, #tpu.memory_space<semaphore_mem>>) src(%arg7 : memref<128xf32, #tpu.memory_space<vmem>>) dst(%dma_wait3A_149 : memref<128xf32, #tpu.memory_space<hbm>>)
      tpu.yield
    }) : () -> ()
    return
  }
}

module attributes {stable_mosaic.version = 14 : i64} {
  func.func @_matvec_body(%arg0: i32, %arg1: memref<100x25600xf32, #tpu.memory_space<vmem>>, %arg2: memref<1x100xf32, #tpu.memory_space<vmem>>, %arg3: memref<1xf32, #tpu.memory_space<smem>>, %arg4: memref<25600xf32, #tpu.memory_space<vmem>>) attributes {dimension_semantics = [#tpu.dimension_semantics<arbitrary>], iteration_bounds = array<i64: 1>, scalar_prefetch = 0 : i64, scratch_operands = 0 : i64, tpu.core_type = #tpu.core_type<tc>, window_params = [{transform_indices = @transform_0, window_bounds = array<i64: 100, 25600>}, {pipeline_mode = #tpu.pipeline_mode<synchronous>, transform_indices = @transform_1, window_bounds = array<i64: 1, 100>}, {transform_indices = @transform_2, window_bounds = array<i64: 1>}, {pipeline_mode = #tpu.pipeline_mode<synchronous>, transform_indices = @transform_3, window_bounds = array<i64: 25600>}]} {
    %get3A = arith.constant 0 : index
    %get3A_0 = arith.constant 0 : index
    %get3A_1 = vector.load %arg2[%get3A, %get3A_0] : memref<1x100xf32, #tpu.memory_space<vmem>>, vector<1x100xf32>
    %get3A_2 = arith.constant 0 : index
    %get3A_3 = arith.constant 0 : index
    %get3A_4 = vector.load %arg1[%get3A_2, %get3A_3] : memref<100x25600xf32, #tpu.memory_space<vmem>>, vector<100x25600xf32>
    %dot_general3A = arith.constant dense<0.000000e+00> : vector<1x25600xf32>
    %dot_general3A_5 = tpu.matmul %get3A_1, %get3A_4, %dot_general3A {dimension_numbers = #tpu.dot_dimension_numbers<[1], [0], [0], [1], [0, 0, 1, 1], [], []>, transpose_lhs_hint = false} : vector<1x100xf32>, vector<100x25600xf32>, vector<1x25600xf32> -> vector<1x25600xf32>
    %squeeze3A = vector.shape_cast %dot_general3A_5 : vector<1x25600xf32> to vector<25600xf32>
    %get3A_6 = arith.constant 0 : index
    %get3A_7 = memref.load %arg3[%get3A_6] : memref<1xf32, #tpu.memory_space<smem>>
    %add3A = vector.broadcast %get3A_7 : f32 to vector<25600xf32>
    %add3A_8 = arith.addf %squeeze3A, %add3A : vector<25600xf32>
    %mul3A = arith.constant 5.000000e-03 : f32
    %mul3A_9 = vector.broadcast %mul3A : f32 to vector<25600xf32>
    %mul3A_10 = arith.mulf %add3A_8, %mul3A_9 : vector<25600xf32>
    %swap3A = arith.constant 0 : index
    %swap3A_11 = vector.load %arg4[%swap3A] : memref<25600xf32, #tpu.memory_space<vmem>>, vector<25600xf32>
    tpu.vector_store %arg4[%swap3A], %mul3A_10 {strides = array<i32>} : memref<25600xf32, #tpu.memory_space<vmem>>, vector<25600xf32>,
    return
  }
  func.func @transform_0(%arg0: i32) -> (i32, i32) {
    %c0_i32 = arith.constant 0 : i32
    %c0_i32_0 = arith.constant 0 : i32
    %c0_i32_1 = arith.constant 0 : i32
    return %c0_i32, %c0_i32_0 : i32, i32
  }
  func.func @transform_1(%arg0: i32) -> (i32, i32) {
    %c0_i32 = arith.constant 0 : i32
    %c0_i32_0 = arith.constant 0 : i32
    %c0_i32_1 = arith.constant 0 : i32
    return %c0_i32, %c0_i32_0 : i32, i32
  }
  func.func @transform_2(%arg0: i32) -> i32 {
    %c0_i32 = arith.constant 0 : i32
    %c0_i32_0 = arith.constant 0 : i32
    return %c0_i32 : i32
  }
  func.func @transform_3(%arg0: i32) -> i32 {
    %c0_i32 = arith.constant 0 : i32
    %c0_i32_0 = arith.constant 0 : i32
    return %c0_i32 : i32
  }
}

</mosaic_0001>

<sc_bundles>
// kernel: kernel.4.cloned.1.call-start
scs
__scs_entry_jumppad:
0x0: {  	(pc) =	sbr.rel $0x88, $3  }
0x1: {  	(tag) =	ssettag $0x0;
	lr =	simm.s32 $0x1  }
0x2: {  	[smem:$0x3F9D] =	sst lr;
	_ =	strace $0xD0000000  }
0x3: {  	_ = 	snop  }
0x4: {  	_ = 	snop  }
0x5: {  	_ = 	snop  }
0x6: {  	_ = 	snop  }
0x7: {  	_ = 	snop  }
__scs_overlays_trampoline_lowered:
0x8: {  	[smem:$0x3FAC] =	sst s0  }
0x9: {  	[smem:$0x3FAD] =	sst s1  }
0xa: {  	[smem:$0x3FAE] =	sst s2  }
0xb: {  	[smem:$0x3FAF] =	sst s3  }
0xc: {  	[smem:$0x3FB0] =	sst s4  }
0xd: {  	[smem:$0x3FB1] =	sst s5  }
0xe: {  	[smem:$0x3FB2] =	sst s6  }
0xf: {  	[smem:$0x3FB3] =	sst s7  }
0x10: {  	[smem:$0x3FB4] =	sst s8  }
0x11: {  	[smem:$0x3FB5] =	sst s9;
	s0 =	simm.s32 @!p0 $0x0  }
0x12: {  	s1 =	sld [smem:$0x3F9B];
	s0 =	simm.s32 @p0 $0x1  }
0x13: {  	[smem:$0x3FB6] =	sst s0;
	s0 =	simm.s32 @!p1 $0x0  }
0x14: {  	s2 =	sld [smem:$0x3F9A];
	s0 =	simm.s32 @p1 $0x1  }
0x15: {  	[smem:$0x3FB7] =	sst s0;
	s0 =	simm.s32 @!p2 $0x0  }
0x16: {  	s3 =	sld [smem:$0x3FDB];
	s0 =	simm.s32 @p2 $0x1  }
0x17: {  	s4 =	simm.s32 $0x1BF5;
	[smem:$0x3FB9] =	sst s0  }
0x18: {  	s0 =	sld [smem:$0x3F9C];
	_ =	swait.ge [sflag:s4], $0x0  }
0x19: {  	s7 =	sld [smem:$0x3F9D]  }
0x1a: {  	s8 =	sadd.s32 $0xFFFFE003, lr  }
0x1b: {  	s9 =	sadd.s32 $0xFFFFFEF7, lr;
	s5 =	simm.s32 $0xFFFFFFFF;
	p2 =	slt.u32 s8, $0xFFFFF086  }
0x1c: {  	p1 =	slt.u32 s9, $0xF7A;
	s5 =	simm.s32 @!p2 $0x0  }
0x1d: {  	s5 =	simm.s32 @p1 $0x1;
	p0 =	seq.s32 s7, s2  }
0x1e: {  	s7 =	smul.u32 @!p0 $0xF7A, s2;
	p2 =	seq.s32 @!p0 s5, $0x0  }
0x1f: {  	s9 =	smul.u32 $0xF7A, s1;
	s8 =	simm.s32 @!p0 $0x1BF5;
	p2 =	por !p2, p0  }
0x20: {  	[sflag:s8] =	ssyncset.s32 @!p0 $0xFFFFF086;
	s6 =	sadd.s32 @!p0 s3, s7;
	s7 =	simm.s32 @!p0 $0x108  }
0x21: {  	s3 =	sadd.s32 s3, s9;
	s6 =	sadd.s32 @!p0 $0x88, s6;
	s7 =	simm.s32 @p2 $0x1082  }
0x22: {  	[simem:s7], [sflag:s8] =	dma.local @!p0 [hbm:s6], $0xF7A  }
0x23: {  	s9 =	sor.u32 $0xD0000000, s2;
	s6 =	simm.s32 $0x108;
	_ =	swait.ge @!p0 [sflag:s8], $0x0  }
0x24: {  	s3 =	sadd.s32 $0x88, s3;
	s6 =	simm.s32 @!p1 $0x1082;
	[sflag:s4] =	ssyncset.s32 $0xFFFFF086  }
0x25: {  	[simem:s6], [sflag:s4] =	dma.local [hbm:s3], $0xF7A  }
0x26: {  	[smem:$0x3F9D] =	sst s1;
	(tag) =	ssettag s2;
	_ =	strace s9  }
0x27: {  	s1 =	sld [smem:$0x3FAD]  }
0x28: {  	s2 =	sld [smem:$0x3FAE]  }
0x29: {  	s4 =	sld [smem:$0x3FB0]  }
0x2a: {  	p0 =	seq.s32 s5, $0x0;
	s5 =	sld [smem:$0x3FB1]  }
0x2b: {  	s6 =	sld [smem:$0x3FB2]  }
0x2c: {  	s7 =	sld [smem:$0x3FB3]  }
0x2d: {  	s3 =	simm.s32 $0x108;
	s8 =	sld [smem:$0x3FB4]  }
0x2e: {  	s3 =	simm.s32 @!p0 $0x1082;
	s9 =	sld [smem:$0x3FB5]  }
0x2f: {  	lr =	sadd.s32 s0, s3;
	s0 =	sld [smem:$0x3FAC]  }
0x30: {  	s3 =	sld [smem:$0x3FAF]  }
0x31: {  	[smem:$0x3FB8] =	sst s10  }
0x32: {  	s10 =	sld [smem:$0x3FB6];
	_ =	sdelay $0x3  }
0x33: {  	p0 =	seq.s32 s10, $0x1;
	s10 =	sld [smem:$0x3FB8];
	_ =	sdelay $0x3  }
0x34: {  	[smem:$0x3FB8] =	sst s10  }
0x35: {  	s10 =	sld [smem:$0x3FB7];
	_ =	sdelay $0x3  }
0x36: {  	p1 =	seq.s32 s10, $0x1;
	s10 =	sld [smem:$0x3FB8];
	_ =	sdelay $0x3  }
0x37: {  	[smem:$0x3FB8] =	sst s10  }
0x38: {  	s10 =	sld [smem:$0x3FB9]  }
0x39: {  	_ = 	snop;
	(pc) =	sbr.ind lr, $3  }
0x3a: {  	_ = 	snop  }
0x3b: {  	_ = 	snop  }
0x3c: {  	p2 =	seq.s32 s10, $0x1;
	s10 =	sld [smem:$0x3FB8]  }
0x3d: {  	_ =	shalt  }
0x3e: {  	_ =	shalt  }
0x3f: {  	_ =	shalt  }
0x40: {  	_ =	shalt  }
0x41: {  	_ =	shalt  }
0x42: {  	_ =	shalt  }
0x43: {  	_ =	shalt  }
0x44: {  	_ =	shalt  }
0x45: {  	_ =	shalt  }
0x46: {  	_ =	shalt  }
0x47: {  	_ =	shalt  }
0x48: {  	_ =	shalt  }
0x49: {  	_ =	shalt  }
0x4a: {  	_ =	shalt  }
0x4b: {  	_ =	shalt  }
0x4c: {  	_ =	shalt  }
0x4d: {  	_ =	shalt  }
0x4e: {  	_ =	shalt  }
0x4f: {  	_ =	shalt  }
0x50: {  	_ =	shalt  }
0x51: {  	_ =	shalt  }
0x52: {  	_ =	shalt  }
0x53: {  	_ =	shalt  }
0x54: {  	_ =	shalt  }
0x55: {  	_ =	shalt  }
0x56: {  	_ =	shalt  }
0x57: {  	_ =	shalt  }
0x58: {  	_ =	shalt  }
0x59: {  	_ =	shalt  }
0x5a: {  	_ =	shalt  }
0x5b: {  	_ =	shalt  }
0x5c: {  	_ =	shalt  }
0x5d: {  	_ =	shalt  }
0x5e: {  	_ =	shalt  }
0x5f: {  	_ =	shalt  }
0x60: {  	_ =	shalt  }
0x61: {  	_ =	shalt  }
0x62: {  	_ =	shalt  }
0x63: {  	_ =	shalt  }
0x64: {  	_ =	shalt  }
0x65: {  	_ =	shalt  }
0x66: {  	_ =	shalt  }
0x67: {  	_ =	shalt  }
0x68: {  	_ =	shalt  }
0x69: {  	_ =	shalt  }
0x6a: {  	_ =	shalt  }
0x6b: {  	_ =	shalt  }
0x6c: {  	_ =	shalt  }
0x6d: {  	_ =	shalt  }
0x6e: {  	_ =	shalt  }
0x6f: {  	_ =	shalt  }
0x70: {  	_ =	shalt  }
0x71: {  	_ =	shalt  }
0x72: {  	_ =	shalt  }
0x73: {  	_ =	shalt  }
0x74: {  	_ =	shalt  }
0x75: {  	_ =	shalt  }
0x76: {  	_ =	shalt  }
0x77: {  	_ =	shalt  }
0x78: {  	_ =	shalt  }
0x79: {  	_ =	shalt  }
0x7a: {  	_ =	shalt  }
0x7b: {  	_ =	shalt  }
0x7c: {  	_ =	shalt  }
0x7d: {  	_ =	shalt  }
0x7e: {  	_ =	shalt  }
0x7f: {  	_ =	shalt  }
0x80: {  	_ =	shalt  }
0x81: {  	_ =	shalt  }
0x82: {  	_ =	shalt  }
0x83: {  	_ =	shalt  }
0x84: {  	_ =	shalt  }
0x85: {  	_ =	shalt  }
0x86: {  	_ =	shalt  }
0x87: {  	_ =	shalt  }
.Lfunc_end0:
.L_simem_size_0:
called_computation_lowered:
.L_overlay_start_0:
0x88: {  	s2 =	sld [smem:$0x3FD9]  }
0x89: {  	s3 =	sld [smem:$0x3FFE];
	_ =	sdelay $0x1  }
0x8a: {  	s1 =	srdreg.scid  }
0x8b: {  	s0 =	sand.u32 $0x1, s1  }
0x8c: {  	s17 =	sshll.u32 s0, $0xA;
	s2 =	sadd.s32 s3, s2  }
0x8d: {  	s2 =	sadd.s32 s2, s17  }
0x8e: {  	[smem:$0x3FC4] =	sst s2  }
0x8f: {  	_ = 	snop  }
0x90: {  	s2 =	sld [smem:$0x3FC9]  }
0x91: {  	s18 =	sld [smem:$0x3FD0];
	(tm) =	ssettm $0x1  }
0x92: {  	s4 =	sld [smem:$0x3FFB];
	_ =	sdelay $0x3  }
0x93: {  	_ =	strace s4  }
0x94: {  	s4 =	sld [smem:$0x3FFC];
	_ =	sdelay $0x3  }
0x95: {  	_ =	strace s4  }
0x96: {  	s4 =	sld [smem:$0x3FFD];
	_ =	sdelay $0x3  }
0x97: {  	_ =	strace s4  }
0x98: {  	_ =	strace $0x8FFFFFFF  }
0x99: {  	s19 =	sld [smem:$0x3FDB];
	_ =	sdelay $0x1  }
0x9a: {  	s5 =	simm.s32 $_scs_section_size  }
0x9b: {  	s6 =	simm.s32 $_size__tile_overlayer_lowered;
	s7 =	simm.s32 $_tile_overlayer_lowered  }
0x9c: {  	s22 =	simm.s32 $0x1BFF;
	s21 =	sshll.u32 s7, $0x1;
	s4 =	sadd.s32 s5, s19  }
0x9d: {  	s8 =	simm.s32 $0x0;
	s20 =	sshll.u32 s6, $0x1;
	s6 =	sadd.s32 s21, s4  }
0x9e: {  	[timem:s8], [sflag:s22] =	dma.local [hbm:s6], s20  }
0x9f: {  	_ =	swait.ge [sflag:s22], s20  }
0xa0: {  	s5 =	ssub.s32 $0x0, s20;
	[sflag:s22] =	ssyncset.done $0x0  }
0xa1: {  	[sflag:s22] =	ssyncadd.s32 s5;
	_ =	sdelay $0x1  }
0xa2: {  	s23 =	simm.s32 $0x1B8B  }
0xa3: {  	_ =	swait.ge [sflag:s23], $0x1  }
0xa4: {  	[sflag:s23] =	ssyncset.done $0x0  }
0xa5: {  	s25 =	simm.s32 $0x1B8E;
	s24 =	sld [smem:$0x3FFE];
	[sflag:s23] =	ssyncadd.s32 $0xFFFFFFFF  }
0xa6: {  	s26 =	simm.s32 $execute0_lowered;
	[smem:$0x3FD2] =	sst s25  }
0xa7: {  	s6 =	sshll.u32 s26, $0x1;
	_ =	strace $0x80000046;
	[dreg:$0x1] =	wrdreg $0xFFFFFFFF  }
0xa8: {  	s28 =	simm.s32 $_size_execute0_lowered;
	s4 =	sadd.s32 s4, s6;
	[dreg:$0x0] =	wrdreg $0x0  }
0xa9: {  	s6 =	sshll.u32 s28, $0x1;
	[dreg:$0x2] =	wrdreg s4  }
0xaa: {  	[dreg:$0x3] =	wrdreg s6  }
0xab: {  	[dreg:$0x4] =	wrdreg $0xC0  }
0xac: {  	_ =	task [dreg:s8], $0x5FFFF  }
0xad: {  	[dreg:$0x1] =	wrdreg $0xFFFFFFFF  }
0xae: {  	[dreg:$0x0] =	wrdreg $0x60  }
0xaf: {  	[dreg:$0x2] =	wrdreg s2  }
0xb0: {  	[dreg:$0x3] =	wrdreg s24  }
0xb1: {  	[dreg:$0x4] =	wrdreg s18  }
0xb2: {  	[dreg:$0x5] =	wrdreg $0x9  }
0xb3: {  	_ =	task.clear_ibuf [dreg:s8], $0x6FFFF;
	_ =	strace $0x90000046  }
0xb4: {  	s29 =	simm.s32 $0x9;
	_ =	strace $0x80000048  }
0xb5: {  	_ =	swait.ge [sflag:s29], $0x1  }
0xb6: {  	[sflag:s29] =	ssyncadd.s32 $0xFFFFFFFF  }
0xb7: {  	_ =	strace $0x90000048  }
0xb8: {  	_ =	sfence  }
0xb9: {  	s30 =	sld [smem:$0x0];
	_ =	sdelay $0x2  }
0xba: {  	s31 =	sshll.u32 s1, $0xD;
	s1 =	sshrl.u32 s1, $0x2  }
0xbb: {  	s3 =	sand.u32 $0x4000, s31;
	s1 =	sadd.s32 s1, s30  }
0xbc: {  	s0 =	sor.u32 s3, s0;
	s1 =	sshll.u32 s1, $0x11  }
0xbd: {  	s0 =	sor.u32 s1, s0  }
0xbe: {  	s0 =	sadd.s32 $0x8F2B, s0  }
0xbf: {  	[sflag:s0] =	ssyncadd.remote.s32 $0x1  }
0xc0: {  	_ =	sfence.sel $0xFFFF  }
0xc1: {  	[dreg:$0x0] =	wrdreg $0xFFFFFFFF;
	(pc) =	sbr.abs _section_cstart, $3  }
0xc2: {  	[dreg:$0x1] =	wrdreg $0xFFFFFFFF  }
0xc3: {  	_ =	task.clear_ibuf [dreg:s8], $0x2FFFF;
	_ =	strace $0x9FFFFFFF  }
0xc4: {  	(tm) =	ssettm $0x7FFFFFFF  }
0xc5: {  	_ =	shalt  }
tec
execute0_lowered:
.L_overlay_start_1:
0x0: {  	(tag) =	ssettag $0x1  }
0x1: {  	s4 =	rddreg [dreg:$0x0]  }
0x2: {  	s3 =	rddreg [dreg:$0x1]  }
0x3: {  	s9 =	rddreg [dreg:$0x2]  }
0x4: {  	s0 =	rddreg [dreg:$0x3];
	s5 =	srdreg.scid  }
0x5: {  	s1 =	stileid.u32;
	s2 =	simm.s32 $0x0;
	s12 =	simm.s32 $0x400  }
0x6: {  	s13 =	simm.s32 $0x8000;
	s14 =	simm.s32 $0x1400;
	s15 =	simm.s32 $0x2800  }
0x7: {  	s16 =	simm.s32 $0x3C00;
	s17 =	simm.s32 $0x5000;
	s18 =	simm.s32 $0x1  }
0x8: {  	s19 =	simm.s32 $0x2;
	s20 =	simm.s32 $0x3;
	s21 =	simm.s32 $0x4  }
0x9: {  	s22 =	simm.s32 $0x5;
	s23 =	simm.s32 $0x6;
	s24 =	simm.s32 $0xC800  }
0xa: {  	s25 =	simm.s32 $0x7;
	s26 =	simm.s32 $0x0;
	s5 =	sand.u32 $0x1, s5  }
0xb: {  	s6 =	sshll.u32 s1, $0x1;
	[smem:$0x7FF] =	sst s2;
	s3 =	sadd.s32 $0xA00, s3  }
0xc: {  	s10 =	sor.u32 s5, s6;
	_ =	strace $0x80000047;
	s5 =	ssub.s32 $0x2, s5  }
0xd: {  	s6 =	sshll.u32 s10, $0x7;
	s7 =	sshrl.u32 s5, $0x1;
	s10 =	sshll.u32 s10, $0x4  }
0xe: {  	s4 =	sadd.s32 s4, s6;
	s11 =	ssub.s32 s5, s7;
	s9 =	sadd.s32 s9, s10  }
0xf: {  	s5 =	sadd.s32 $0x5000, s4;
	s6 =	sadd.s32 $0xA000, s4;
	s7 =	sadd.s32 $0xF000, s4  }
0x10: {  	s8 =	sadd.s32 $0x14000, s4;
	s10 =	smax.u32 s11, $0x1;
	s11 =	simm.s32 $0x6400  }
.LBB2_1:
0x11: {  	[tilespmem:s11], [sflag:$0x1] =	stream.linear.gather [hbm4b:s3+s2], $0x6400, $0x38;
	[tilespmem:$0xC880] =	vst v63  }
0x12: {  	_ = 	snop  }
0x13: {  	[tilespmem:s2], [sflag:$0x2] =	stream.strided.gather [hbm4b:s4+s12], $0x1400, s13, s12, $0x38;
	[tilespmem:$0xC880] =	vst v63  }
0x14: {  	_ = 	snop  }
0x15: {  	[tilespmem:s14], [sflag:$0x3] =	stream.strided.gather [hbm4b:s5+s12], $0x1400, s13, s12, $0x38;
	[tilespmem:$0xC880] =	vst v63  }
0x16: {  	_ = 	snop  }
0x17: {  	[tilespmem:s15], [sflag:$0x4] =	stream.strided.gather [hbm4b:s6+s12], $0x1400, s13, s12, $0x38;
	[tilespmem:$0xC880] =	vst v63  }
0x18: {  	_ = 	snop  }
0x19: {  	[tilespmem:s16], [sflag:$0x5] =	stream.strided.gather [hbm4b:s7+s12], $0x1400, s13, s12, $0x38;
	[tilespmem:$0xC880] =	vst v63  }
0x1a: {  	_ = 	snop  }
0x1b: {  	[tilespmem:s17], [sflag:$0x6] =	stream.strided.gather [hbm4b:s8+s12], $0x1400, s13, s12, $0x38;
	[tilespmem:$0xC880] =	vst v63  }
0x1c: {  	_ =	swait.ge [sflag:s18], $0x6400  }
0x1d: {  	[sflag:s18] =	ssyncset.done $0x0  }
0x1e: {  	[sflag:s18] =	ssyncadd.s32 $0xFFFF9C00  }
0x1f: {  	_ =	swait.ge [sflag:s19], $0x1400  }
0x20: {  	[sflag:s19] =	ssyncset.done $0x0  }
0x21: {  	s28 =	simm.s32 $0x0;
	[sflag:s19] =	ssyncadd.s32 $0xFFFFEC00  }
0x22: {  	v0 =	vld [tilespmem:s28+$0x70]  }
0x23: {  	v1 =	vld [tilespmem:s28+$0x0]  }
0x24: {  	v2 =	vld [tilespmem:s28+$0x10]  }
0x25: {  	v3 =	vld [tilespmem:s28+$0x20]  }
0x26: {  	v4 =	vld [tilespmem:s28+$0x30]  }
0x27: {  	v5 =	vld [tilespmem:s28+$0x40]  }
0x28: {  	v7 =	vld [tilespmem:s28+$0x60]  }
0x29: {  	v6 =	vld [tilespmem:s28+$0x50]  }
0x2a: {  	v0 =	vld.idx.msk [tilespmem:v0+s11+$0x0], $0xffff  }
0x2b: {  	v1 =	vld.idx.msk [tilespmem:v1+s11+$0x0], $0xffff  }
0x2c: {  	v12 =	vld.idx.msk [tilespmem:v2+s11+$0x0], $0xffff  }
0x2d: {  	v11 =	vld.idx.msk [tilespmem:v3+s11+$0x0], $0xffff  }
0x2e: {  	v10 =	vld.idx.msk [tilespmem:v4+s11+$0x0], $0xffff  }
0x2f: {  	v2 =	vimm.f32 $0.0e+00;
	v9 =	vld.idx.msk [tilespmem:v5+s11+$0x0], $0xffff;
	v4 =	vimm.f32 $0.0e+00  }
0x30: {  	v3 =	vimm.f32 $0.0e+00;
	v13 =	vld.idx.msk [tilespmem:v7+s11+$0x0], $0xffff;
	v7 =	vimm.f32 $0.0e+00;
	v5 =	vimm.f32 $0.0e+00  }
0x31: {  	s29 =	simm.s32 $0x80;
	s28 =	simm.s32 $0x400;
	v8 =	vld.idx.msk [tilespmem:v6+s11+$0x0], $0xffff;
	v6 =	vimm.f32 $0.0e+00;
	v0 =	vadd.f32 v0, v2;
	v1 =	vadd.f32 v1, v2  }
.LBB2_2:
0x32: {  	p0 =	sne.s32 s28, $0x4E00;
	v14 =	vld [tilespmem:s29+$0x70];
	v2 =	vadd.f32 v12, v2  }
0x33: {  	v4 =	vadd.f32 v11, v4;
	v12 =	vld [tilespmem:s29+$0x0]  }
0x34: {  	v3 =	vadd.f32 v10, v3;
	v11 =	vld [tilespmem:s29+$0x10]  }
0x35: {  	v7 =	vadd.f32 v9, v7;
	v10 =	vld [tilespmem:s29+$0x20]  }
0x36: {  	v5 =	vadd.f32 v8, v5;
	v9 =	vld [tilespmem:s29+$0x30]  }
0x37: {  	v6 =	vadd.f32 v13, v6;
	v8 =	vld [tilespmem:s29+$0x40]  }
0x38: {  	v13 =	vld [tilespmem:s29+$0x50]  }
0x39: {  	v15 =	vld [tilespmem:s29+$0x60]  }
0x3a: {  	v14 =	vld.idx.msk [tilespmem:v14+s11+$0x0], $0xffff  }
0x3b: {  	v16 =	vld.idx.msk [tilespmem:v12+s11+$0x0], $0xffff  }
0x3c: {  	v12 =	vld.idx.msk [tilespmem:v11+s11+$0x0], $0xffff  }
.Ltmp0:
0x3d: {  	v11 =	vld.idx.msk [tilespmem:v10+s11+$0x0], $0xffff;
	(pc) =	sbr.rel @p0 .LBB2_2-.Ltmp0, $4  }
0x3e: {  	v10 =	vld.idx.msk [tilespmem:v9+s11+$0x0], $0xffff  }
0x3f: {  	v9 =	vld.idx.msk [tilespmem:v8+s11+$0x0], $0xffff  }
0x40: {  	v0 =	vadd.f32 v14, v0;
	v8 =	vld.idx.msk [tilespmem:v13+s11+$0x0], $0xffff  }
0x41: {  	s29 =	sshra.s32 s28, $0x2;
	s28 =	sadd.s32 $0x200, s28;
	v1 =	vadd.f32 v16, v1;
	v13 =	vld.idx.msk [tilespmem:v15+s11+$0x0], $0xffff  }
0x42: {  	v14 =	vld [tilespmem:s29+$0x70]  }
0x43: {  	v15 =	vld [tilespmem:s29+$0x0]  }
0x44: {  	v16 =	vld [tilespmem:s29+$0x10]  }
0x45: {  	v17 =	vld [tilespmem:s29+$0x20]  }
0x46: {  	v18 =	vld [tilespmem:s29+$0x30]  }
0x47: {  	v19 =	vld [tilespmem:s29+$0x40]  }
0x48: {  	v20 =	vld [tilespmem:s29+$0x50]  }
0x49: {  	v21 =	vld [tilespmem:s29+$0x60]  }
0x4a: {  	v14 =	vld.idx.msk [tilespmem:v14+s11+$0x0], $0xffff  }
0x4b: {  	v15 =	vld.idx.msk [tilespmem:v15+s11+$0x0], $0xffff  }
0x4c: {  	v16 =	vld.idx.msk [tilespmem:v16+s11+$0x0], $0xffff  }
0x4d: {  	v17 =	vld.idx.msk [tilespmem:v17+s11+$0x0], $0xffff  }
0x4e: {  	v18 =	vld.idx.msk [tilespmem:v18+s11+$0x0], $0xffff  }
0x4f: {  	v19 =	vld.idx.msk [tilespmem:v19+s11+$0x0], $0xffff  }
0x50: {  	v20 =	vld.idx.msk [tilespmem:v20+s11+$0x0], $0xffff  }
0x51: {  	v21 =	vld.idx.msk [tilespmem:v21+s11+$0x0], $0xffff;
	_ =	swait.ge [sflag:s20], $0x1400  }
0x52: {  	[sflag:s20] =	ssyncset.done $0x0  }
0x53: {  	s28 =	simm.s32 $0x0;
	[sflag:s20] =	ssyncadd.s32 $0xFFFFEC00  }
0x54: {  	v22 =	vld [tilespmem:s28+$0x1470]  }
0x55: {  	v23 =	vld [tilespmem:s28+$0x1400]  }
0x56: {  	v24 =	vld [tilespmem:s28+$0x1410]  }
0x57: {  	v25 =	vld [tilespmem:s28+$0x1420]  }
0x58: {  	v26 =	vld [tilespmem:s28+$0x1430]  }
0x59: {  	v27 =	vld [tilespmem:s28+$0x1440]  }
0x5a: {  	v28 =	vld [tilespmem:s28+$0x1450]  }
0x5b: {  	v29 =	vld [tilespmem:s28+$0x1460]  }
0x5c: {  	v2 =	vadd.f32 v12, v2;
	v4 =	vadd.f32 v11, v4;
	v22 =	vld.idx.msk [tilespmem:v22+s11+$0x0], $0xffff  }
0x5d: {  	v3 =	vadd.f32 v10, v3;
	v7 =	vadd.f32 v9, v7;
	v23 =	vld.idx.msk [tilespmem:v23+s11+$0x0], $0xffff  }
0x5e: {  	v5 =	vadd.f32 v8, v5;
	v6 =	vadd.f32 v13, v6;
	v8 =	vld.idx.msk [tilespmem:v24+s11+$0x0], $0xffff  }
0x5f: {  	v13 =	vadd.f32 v14, v0;
	v14 =	vadd.f32 v15, v1;
	v9 =	vld.idx.msk [tilespmem:v25+s11+$0x0], $0xffff  }
0x60: {  	v0 =	vadd.f32 v16, v2;
	v1 =	vadd.f32 v17, v4;
	v10 =	vld.idx.msk [tilespmem:v26+s11+$0x0], $0xffff  }
0x61: {  	v2 =	vadd.f32 v18, v3;
	v3 =	vadd.f32 v19, v7;
	v11 =	vld.idx.msk [tilespmem:v27+s11+$0x0], $0xffff  }
0x62: {  	v4 =	vadd.f32 v20, v5;
	v5 =	vadd.f32 v21, v6;
	v12 =	vld.idx.msk [tilespmem:v28+s11+$0x0], $0xffff  }
0x63: {  	s29 =	simm.s32 $0x80;
	s28 =	simm.s32 $0x400;
	v6 =	vadd.f32 v22, v13;
	v7 =	vadd.f32 v23, v14;
	v13 =	vld.idx.msk [tilespmem:v29+s11+$0x0], $0xffff  }
.LBB2_4:
0x64: {  	p0 =	sne.s32 s28, $0x4E00;
	v14 =	vld [tilespmem:s29+$0x1470];
	v0 =	vadd.f32 v8, v0  }
0x65: {  	v1 =	vadd.f32 v9, v1;
	v8 =	vld [tilespmem:s29+$0x1400]  }
0x66: {  	v2 =	vadd.f32 v10, v2;
	v9 =	vld [tilespmem:s29+$0x1410]  }
0x67: {  	v3 =	vadd.f32 v11, v3;
	v10 =	vld [tilespmem:s29+$0x1420]  }
0x68: {  	v4 =	vadd.f32 v12, v4;
	v11 =	vld [tilespmem:s29+$0x1430]  }
0x69: {  	v5 =	vadd.f32 v13, v5;
	v12 =	vld [tilespmem:s29+$0x1440]  }
0x6a: {  	v13 =	vld [tilespmem:s29+$0x1450]  }
0x6b: {  	v15 =	vld [tilespmem:s29+$0x1460]  }
0x6c: {  	v14 =	vld.idx.msk [tilespmem:v14+s11+$0x0], $0xffff  }
0x6d: {  	v16 =	vld.idx.msk [tilespmem:v8+s11+$0x0], $0xffff  }
0x6e: {  	v8 =	vld.idx.msk [tilespmem:v9+s11+$0x0], $0xffff  }
.Ltmp1:
0x6f: {  	v9 =	vld.idx.msk [tilespmem:v10+s11+$0x0], $0xffff;
	(pc) =	sbr.rel @p0 .LBB2_4-.Ltmp1, $4  }
0x70: {  	v10 =	vld.idx.msk [tilespmem:v11+s11+$0x0], $0xffff  }
0x71: {  	v11 =	vld.idx.msk [tilespmem:v12+s11+$0x0], $0xffff  }
0x72: {  	v6 =	vadd.f32 v14, v6;
	v12 =	vld.idx.msk [tilespmem:v13+s11+$0x0], $0xffff  }
0x73: {  	s29 =	sshra.s32 s28, $0x2;
	s28 =	sadd.s32 $0x200, s28;
	v7 =	vadd.f32 v16, v7;
	v13 =	vld.idx.msk [tilespmem:v15+s11+$0x0], $0xffff  }
0x74: {  	v14 =	vld [tilespmem:s29+$0x1470]  }
0x75: {  	v15 =	vld [tilespmem:s29+$0x1400]  }
0x76: {  	v16 =	vld [tilespmem:s29+$0x1410]  }
0x77: {  	v17 =	vld [tilespmem:s29+$0x1420]  }
0x78: {  	v18 =	vld [tilespmem:s29+$0x1430]  }
0x79: {  	v19 =	vld [tilespmem:s29+$0x1440]  }
0x7a: {  	v20 =	vld [tilespmem:s29+$0x1450]  }
0x7b: {  	v21 =	vld [tilespmem:s29+$0x1460]  }
0x7c: {  	v14 =	vld.idx.msk [tilespmem:v14+s11+$0x0], $0xffff  }
0x7d: {  	v15 =	vld.idx.msk [tilespmem:v15+s11+$0x0], $0xffff  }
0x7e: {  	v16 =	vld.idx.msk [tilespmem:v16+s11+$0x0], $0xffff  }
0x7f: {  	v17 =	vld.idx.msk [tilespmem:v17+s11+$0x0], $0xffff  }
0x80: {  	v18 =	vld.idx.msk [tilespmem:v18+s11+$0x0], $0xffff  }
0x81: {  	v19 =	vld.idx.msk [tilespmem:v19+s11+$0x0], $0xffff  }
0x82: {  	v20 =	vld.idx.msk [tilespmem:v20+s11+$0x0], $0xffff  }
0x83: {  	v21 =	vld.idx.msk [tilespmem:v21+s11+$0x0], $0xffff;
	_ =	swait.ge [sflag:s21], $0x1400  }
0x84: {  	[sflag:s21] =	ssyncset.done $0x0  }
0x85: {  	s28 =	simm.s32 $0x0;
	[sflag:s21] =	ssyncadd.s32 $0xFFFFEC00  }
0x86: {  	v22 =	vld [tilespmem:s28+$0x2870]  }
0x87: {  	v23 =	vld [tilespmem:s28+$0x2800]  }
0x88: {  	v24 =	vld [tilespmem:s28+$0x2810]  }
0x89: {  	v25 =	vld [tilespmem:s28+$0x2820]  }
0x8a: {  	v26 =	vld [tilespmem:s28+$0x2830]  }
0x8b: {  	v27 =	vld [tilespmem:s28+$0x2840]  }
0x8c: {  	v28 =	vld [tilespmem:s28+$0x2850]  }
0x8d: {  	v29 =	vld [tilespmem:s28+$0x2860]  }
0x8e: {  	v0 =	vadd.f32 v8, v0;
	v1 =	vadd.f32 v9, v1;
	v22 =	vld.idx.msk [tilespmem:v22+s11+$0x0], $0xffff  }
0x8f: {  	v2 =	vadd.f32 v10, v2;
	v3 =	vadd.f32 v11, v3;
	v23 =	vld.idx.msk [tilespmem:v23+s11+$0x0], $0xffff  }
0x90: {  	v4 =	vadd.f32 v12, v4;
	v5 =	vadd.f32 v13, v5;
	v8 =	vld.idx.msk [tilespmem:v24+s11+$0x0], $0xffff  }
0x91: {  	v6 =	vadd.f32 v14, v6;
	v7 =	vadd.f32 v15, v7;
	v9 =	vld.idx.msk [tilespmem:v25+s11+$0x0], $0xffff  }
0x92: {  	v0 =	vadd.f32 v16, v0;
	v1 =	vadd.f32 v17, v1;
	v10 =	vld.idx.msk [tilespmem:v26+s11+$0x0], $0xffff  }
0x93: {  	v2 =	vadd.f32 v18, v2;
	v3 =	vadd.f32 v19, v3;
	v11 =	vld.idx.msk [tilespmem:v27+s11+$0x0], $0xffff  }
0x94: {  	v4 =	vadd.f32 v20, v4;
	v5 =	vadd.f32 v21, v5;
	v12 =	vld.idx.msk [tilespmem:v28+s11+$0x0], $0xffff  }
0x95: {  	s29 =	simm.s32 $0x80;
	s28 =	simm.s32 $0x400;
	v13 =	vld.idx.msk [tilespmem:v29+s11+$0x0], $0xffff;
	v6 =	vadd.f32 v22, v6;
	v7 =	vadd.f32 v23, v7  }
.LBB2_6:
0x96: {  	p0 =	sne.s32 s28, $0x4E00;
	v14 =	vld [tilespmem:s29+$0x2870];
	v0 =	vadd.f32 v8, v0  }
0x97: {  	v1 =	vadd.f32 v9, v1;
	v8 =	vld [tilespmem:s29+$0x2800]  }
0x98: {  	v2 =	vadd.f32 v10, v2;
	v9 =	vld [tilespmem:s29+$0x2810]  }
0x99: {  	v3 =	vadd.f32 v11, v3;
	v10 =	vld [tilespmem:s29+$0x2820]  }
0x9a: {  	v4 =	vadd.f32 v12, v4;
	v11 =	vld [tilespmem:s29+$0x2830]  }
0x9b: {  	v5 =	vadd.f32 v13, v5;
	v12 =	vld [tilespmem:s29+$0x2840]  }
0x9c: {  	v13 =	vld [tilespmem:s29+$0x2850]  }
0x9d: {  	v15 =	vld [tilespmem:s29+$0x2860]  }
0x9e: {  	v14 =	vld.idx.msk [tilespmem:v14+s11+$0x0], $0xffff  }
0x9f: {  	v16 =	vld.idx.msk [tilespmem:v8+s11+$0x0], $0xffff  }
0xa0: {  	v8 =	vld.idx.msk [tilespmem:v9+s11+$0x0], $0xffff  }
.Ltmp2:
0xa1: {  	v9 =	vld.idx.msk [tilespmem:v10+s11+$0x0], $0xffff;
	(pc) =	sbr.rel @p0 .LBB2_6-.Ltmp2, $4  }
0xa2: {  	v10 =	vld.idx.msk [tilespmem:v11+s11+$0x0], $0xffff  }
0xa3: {  	v11 =	vld.idx.msk [tilespmem:v12+s11+$0x0], $0xffff  }
0xa4: {  	v6 =	vadd.f32 v14, v6;
	v12 =	vld.idx.msk [tilespmem:v13+s11+$0x0], $0xffff  }
0xa5: {  	s29 =	sshra.s32 s28, $0x2;
	s28 =	sadd.s32 $0x200, s28;
	v7 =	vadd.f32 v16, v7;
	v13 =	vld.idx.msk [tilespmem:v15+s11+$0x0], $0xffff  }
0xa6: {  	v14 =	vld [tilespmem:s29+$0x2870]  }
0xa7: {  	v15 =	vld [tilespmem:s29+$0x2800]  }
0xa8: {  	v16 =	vld [tilespmem:s29+$0x2810]  }
0xa9: {  	v17 =	vld [tilespmem:s29+$0x2820]  }
0xaa: {  	v18 =	vld [tilespmem:s29+$0x2830]  }
0xab: {  	v19 =	vld [tilespmem:s29+$0x2840]  }
0xac: {  	v20 =	vld [tilespmem:s29+$0x2850]  }
0xad: {  	v21 =	vld [tilespmem:s29+$0x2860]  }
0xae: {  	v14 =	vld.idx.msk [tilespmem:v14+s11+$0x0], $0xffff  }
0xaf: {  	v15 =	vld.idx.msk [tilespmem:v15+s11+$0x0], $0xffff  }
0xb0: {  	v16 =	vld.idx.msk [tilespmem:v16+s11+$0x0], $0xffff  }
0xb1: {  	v17 =	vld.idx.msk [tilespmem:v17+s11+$0x0], $0xffff  }
0xb2: {  	v18 =	vld.idx.msk [tilespmem:v18+s11+$0x0], $0xffff  }
0xb3: {  	v19 =	vld.idx.msk [tilespmem:v19+s11+$0x0], $0xffff  }
0xb4: {  	v20 =	vld.idx.msk [tilespmem:v20+s11+$0x0], $0xffff  }
0xb5: {  	v21 =	vld.idx.msk [tilespmem:v21+s11+$0x0], $0xffff;
	_ =	swait.ge [sflag:s22], $0x1400  }
0xb6: {  	[sflag:s22] =	ssyncset.done $0x0  }
0xb7: {  	s28 =	simm.s32 $0x0;
	[sflag:s22] =	ssyncadd.s32 $0xFFFFEC00  }
0xb8: {  	v22 =	vld [tilespmem:s28+$0x3C70]  }
0xb9: {  	v23 =	vld [tilespmem:s28+$0x3C00]  }
0xba: {  	v24 =	vld [tilespmem:s28+$0x3C10]  }
0xbb: {  	v25 =	vld [tilespmem:s28+$0x3C20]  }
0xbc: {  	v26 =	vld [tilespmem:s28+$0x3C30]  }
0xbd: {  	v27 =	vld [tilespmem:s28+$0x3C40]  }
0xbe: {  	v28 =	vld [tilespmem:s28+$0x3C50]  }
0xbf: {  	v29 =	vld [tilespmem:s28+$0x3C60]  }
0xc0: {  	v0 =	vadd.f32 v8, v0;
	v1 =	vadd.f32 v9, v1;
	v22 =	vld.idx.msk [tilespmem:v22+s11+$0x0], $0xffff  }
0xc1: {  	v2 =	vadd.f32 v10, v2;
	v3 =	vadd.f32 v11, v3;
	v23 =	vld.idx.msk [tilespmem:v23+s11+$0x0], $0xffff  }
0xc2: {  	v4 =	vadd.f32 v12, v4;
	v5 =	vadd.f32 v13, v5;
	v8 =	vld.idx.msk [tilespmem:v24+s11+$0x0], $0xffff  }
0xc3: {  	v6 =	vadd.f32 v14, v6;
	v7 =	vadd.f32 v15, v7;
	v9 =	vld.idx.msk [tilespmem:v25+s11+$0x0], $0xffff  }
0xc4: {  	v0 =	vadd.f32 v16, v0;
	v1 =	vadd.f32 v17, v1;
	v10 =	vld.idx.msk [tilespmem:v26+s11+$0x0], $0xffff  }
0xc5: {  	v2 =	vadd.f32 v18, v2;
	v3 =	vadd.f32 v19, v3;
	v11 =	vld.idx.msk [tilespmem:v27+s11+$0x0], $0xffff  }
0xc6: {  	v4 =	vadd.f32 v20, v4;
	v5 =	vadd.f32 v21, v5;
	v12 =	vld.idx.msk [tilespmem:v28+s11+$0x0], $0xffff  }
0xc7: {  	s29 =	simm.s32 $0x80;
	s28 =	simm.s32 $0x400;
	v13 =	vld.idx.msk [tilespmem:v29+s11+$0x0], $0xffff;
	v6 =	vadd.f32 v22, v6;
	v7 =	vadd.f32 v23, v7  }
.LBB2_8:
0xc8: {  	p0 =	sne.s32 s28, $0x4E00;
	v14 =	vld [tilespmem:s29+$0x3C70];
	v0 =	vadd.f32 v8, v0  }
0xc9: {  	v1 =	vadd.f32 v9, v1;
	v8 =	vld [tilespmem:s29+$0x3C00]  }
0xca: {  	v2 =	vadd.f32 v10, v2;
	v9 =	vld [tilespmem:s29+$0x3C10]  }
0xcb: {  	v3 =	vadd.f32 v11, v3;
	v10 =	vld [tilespmem:s29+$0x3C20]  }
0xcc: {  	v4 =	vadd.f32 v12, v4;
	v11 =	vld [tilespmem:s29+$0x3C30]  }
0xcd: {  	v5 =	vadd.f32 v13, v5;
	v12 =	vld [tilespmem:s29+$0x3C40]  }
0xce: {  	v13 =	vld [tilespmem:s29+$0x3C50]  }
0xcf: {  	v15 =	vld [tilespmem:s29+$0x3C60]  }
0xd0: {  	v14 =	vld.idx.msk [tilespmem:v14+s11+$0x0], $0xffff  }
0xd1: {  	v16 =	vld.idx.msk [tilespmem:v8+s11+$0x0], $0xffff  }
0xd2: {  	v8 =	vld.idx.msk [tilespmem:v9+s11+$0x0], $0xffff  }
.Ltmp3:
0xd3: {  	v9 =	vld.idx.msk [tilespmem:v10+s11+$0x0], $0xffff;
	(pc) =	sbr.rel @p0 .LBB2_8-.Ltmp3, $4  }
0xd4: {  	v10 =	vld.idx.msk [tilespmem:v11+s11+$0x0], $0xffff  }
0xd5: {  	v11 =	vld.idx.msk [tilespmem:v12+s11+$0x0], $0xffff  }
0xd6: {  	v6 =	vadd.f32 v14, v6;
	v12 =	vld.idx.msk [tilespmem:v13+s11+$0x0], $0xffff  }
0xd7: {  	s29 =	sshra.s32 s28, $0x2;
	s28 =	sadd.s32 $0x200, s28;
	v7 =	vadd.f32 v16, v7;
	v13 =	vld.idx.msk [tilespmem:v15+s11+$0x0], $0xffff  }
0xd8: {  	v14 =	vld [tilespmem:s29+$0x3C70]  }
0xd9: {  	v15 =	vld [tilespmem:s29+$0x3C00]  }
0xda: {  	v16 =	vld [tilespmem:s29+$0x3C10]  }
0xdb: {  	v17 =	vld [tilespmem:s29+$0x3C20]  }
0xdc: {  	v18 =	vld [tilespmem:s29+$0x3C30]  }
0xdd: {  	v19 =	vld [tilespmem:s29+$0x3C40]  }
0xde: {  	v20 =	vld [tilespmem:s29+$0x3C50]  }
0xdf: {  	v21 =	vld [tilespmem:s29+$0x3C60]  }
0xe0: {  	v14 =	vld.idx.msk [tilespmem:v14+s11+$0x0], $0xffff  }
0xe1: {  	v15 =	vld.idx.msk [tilespmem:v15+s11+$0x0], $0xffff  }
0xe2: {  	v16 =	vld.idx.msk [tilespmem:v16+s11+$0x0], $0xffff  }
0xe3: {  	v17 =	vld.idx.msk [tilespmem:v17+s11+$0x0], $0xffff  }
0xe4: {  	v18 =	vld.idx.msk [tilespmem:v18+s11+$0x0], $0xffff  }
0xe5: {  	v19 =	vld.idx.msk [tilespmem:v19+s11+$0x0], $0xffff  }
0xe6: {  	v20 =	vld.idx.msk [tilespmem:v20+s11+$0x0], $0xffff  }
0xe7: {  	v21 =	vld.idx.msk [tilespmem:v21+s11+$0x0], $0xffff;
	_ =	swait.ge [sflag:s23], $0x1400  }
0xe8: {  	[sflag:s23] =	ssyncset.done $0x0  }
0xe9: {  	s28 =	simm.s32 $0x0;
	[sflag:s23] =	ssyncadd.s32 $0xFFFFEC00  }
0xea: {  	v22 =	vld [tilespmem:s28+$0x5070]  }
0xeb: {  	v23 =	vld [tilespmem:s28+$0x5000]  }
0xec: {  	v24 =	vld [tilespmem:s28+$0x5010]  }
0xed: {  	v25 =	vld [tilespmem:s28+$0x5020]  }
0xee: {  	v26 =	vld [tilespmem:s28+$0x5030]  }
0xef: {  	v27 =	vld [tilespmem:s28+$0x5040]  }
0xf0: {  	v28 =	vld [tilespmem:s28+$0x5050]  }
0xf1: {  	v29 =	vld [tilespmem:s28+$0x5060]  }
0xf2: {  	v0 =	vadd.f32 v8, v0;
	v1 =	vadd.f32 v9, v1;
	v22 =	vld.idx.msk [tilespmem:v22+s11+$0x0], $0xffff  }
0xf3: {  	v2 =	vadd.f32 v10, v2;
	v3 =	vadd.f32 v11, v3;
	v23 =	vld.idx.msk [tilespmem:v23+s11+$0x0], $0xffff  }
0xf4: {  	v8 =	vadd.f32 v12, v4;
	v13 =	vadd.f32 v13, v5;
	v11 =	vld.idx.msk [tilespmem:v24+s11+$0x0], $0xffff  }
0xf5: {  	v14 =	vadd.f32 v14, v6;
	v7 =	vadd.f32 v15, v7;
	v12 =	vld.idx.msk [tilespmem:v25+s11+$0x0], $0xffff  }
0xf6: {  	v6 =	vadd.f32 v16, v0;
	v5 =	vadd.f32 v17, v1;
	v10 =	vld.idx.msk [tilespmem:v26+s11+$0x0], $0xffff  }
0xf7: {  	v4 =	vadd.f32 v18, v2;
	v3 =	vadd.f32 v19, v3;
	v9 =	vld.idx.msk [tilespmem:v27+s11+$0x0], $0xffff  }
0xf8: {  	v2 =	vadd.f32 v20, v8;
	v1 =	vadd.f32 v21, v13;
	v8 =	vld.idx.msk [tilespmem:v28+s11+$0x0], $0xffff  }
0xf9: {  	s29 =	simm.s32 $0x80;
	s28 =	simm.s32 $0x400;
	v13 =	vld.idx.msk [tilespmem:v29+s11+$0x0], $0xffff;
	v0 =	vadd.f32 v22, v14;
	v7 =	vadd.f32 v23, v7  }
.LBB2_10:
0xfa: {  	p0 =	sne.s32 s28, $0x4E00;
	v14 =	vld [tilespmem:s29+$0x5070];
	v6 =	vadd.f32 v11, v6  }
0xfb: {  	v5 =	vadd.f32 v12, v5;
	v11 =	vld [tilespmem:s29+$0x5000]  }
0xfc: {  	v4 =	vadd.f32 v10, v4;
	v12 =	vld [tilespmem:s29+$0x5010]  }
0xfd: {  	v3 =	vadd.f32 v9, v3;
	v10 =	vld [tilespmem:s29+$0x5020]  }
0xfe: {  	v2 =	vadd.f32 v8, v2;
	v9 =	vld [tilespmem:s29+$0x5030]  }
0xff: {  	v1 =	vadd.f32 v13, v1;
	v8 =	vld [tilespmem:s29+$0x5040]  }
0x100: {  	v13 =	vld [tilespmem:s29+$0x5050]  }
0x101: {  	v15 =	vld [tilespmem:s29+$0x5060]  }
0x102: {  	v14 =	vld.idx.msk [tilespmem:v14+s11+$0x0], $0xffff  }
0x103: {  	v16 =	vld.idx.msk [tilespmem:v11+s11+$0x0], $0xffff  }
0x104: {  	v11 =	vld.idx.msk [tilespmem:v12+s11+$0x0], $0xffff  }
.Ltmp4:
0x105: {  	v12 =	vld.idx.msk [tilespmem:v10+s11+$0x0], $0xffff;
	(pc) =	sbr.rel @p0 .LBB2_10-.Ltmp4, $4  }
0x106: {  	v10 =	vld.idx.msk [tilespmem:v9+s11+$0x0], $0xffff  }
0x107: {  	v9 =	vld.idx.msk [tilespmem:v8+s11+$0x0], $0xffff  }
0x108: {  	v0 =	vadd.f32 v14, v0;
	v8 =	vld.idx.msk [tilespmem:v13+s11+$0x0], $0xffff  }
0x109: {  	s29 =	sshra.s32 s28, $0x2;
	s28 =	sadd.s32 $0x200, s28;
	v7 =	vadd.f32 v16, v7;
	v13 =	vld.idx.msk [tilespmem:v15+s11+$0x0], $0xffff  }
0x10a: {  	v15 =	vld [tilespmem:s29+$0x5000]  }
0x10b: {  	v16 =	vld [tilespmem:s29+$0x5010]  }
0x10c: {  	v17 =	vld [tilespmem:s29+$0x5020]  }
0x10d: {  	v18 =	vld [tilespmem:s29+$0x5030]  }
0x10e: {  	v19 =	vld [tilespmem:s29+$0x5040]  }
0x10f: {  	v20 =	vld [tilespmem:s29+$0x5050]  }
0x110: {  	v21 =	vld [tilespmem:s29+$0x5060]  }
0x111: {  	v14 =	vld [tilespmem:s29+$0x5070]  }
0x112: {  	v15 =	vld.idx.msk [tilespmem:v15+s11+$0x0], $0xffff  }
0x113: {  	v16 =	vld.idx.msk [tilespmem:v16+s11+$0x0], $0xffff  }
0x114: {  	v17 =	vld.idx.msk [tilespmem:v17+s11+$0x0], $0xffff  }
0x115: {  	v18 =	vld.idx.msk [tilespmem:v18+s11+$0x0], $0xffff  }
0x116: {  	v6 =	vadd.f32 v11, v6;
	v61 =	vld.idx.msk [tilespmem:v19+s11+$0x0], $0xffff  }
0x117: {  	v5 =	vadd.f32 v12, v5;
	v62 =	vld.idx.msk [tilespmem:v20+s11+$0x0], $0xffff;
	v7 =	vadd.f32 v15, v7  }
0x118: {  	v4 =	vadd.f32 v10, v4;
	v63 =	vld.idx.msk [tilespmem:v21+s11+$0x0], $0xffff;
	v6 =	vadd.f32 v16, v6  }
0x119: {  	v3 =	vadd.f32 v9, v3;
	v14 =	vld.idx.msk [tilespmem:v14+s11+$0x0], $0xffff;
	v5 =	vadd.f32 v17, v5;
	[tilespmem:$0xC800] =	vst v7  }
0x11a: {  	v2 =	vadd.f32 v8, v2;
	v4 =	vadd.f32 v18, v4;
	[tilespmem:$0xC810] =	vst v6  }
0x11b: {  	v1 =	vadd.f32 v13, v1;
	v3 =	vadd.f32 v61, v3;
	[tilespmem:$0xC820] =	vst v5  }
0x11c: {  	v2 =	vadd.f32 v62, v2;
	[tilespmem:$0xC830] =	vst v4  }
0x11d: {  	v1 =	vadd.f32 v63, v1;
	[tilespmem:$0xC840] =	vst v3  }
0x11e: {  	s26 =	sadd.s32 $0x1, s26;
	v0 =	vadd.f32 v14, v0;
	[tilespmem:$0xC850] =	vst v2  }
0x11f: {  	p0 =	sne.s32 s26, s10;
	[tilespmem:$0xC860] =	vst v1  }
.Ltmp5:
0x120: {  	[tilespmem:$0xC870] =	vst v0;
	(pc) =	sbr.rel @p0 .LBB2_1-.Ltmp5, $4  }
0x121: {  	[hbm4b:s9+s2] =	stream.linear.scatter [tilespmem:s24], [sflag:$0x7], $0x80, $0x38;
	[tilespmem:$0xC880] =	vst v63  }
0x122: {  	_ =	swait.ge [sflag:s25], $0x80  }
0x123: {  	[sflag:s25] =	ssyncset.done $0x0  }
0x124: {  	[sflag:s25] =	ssyncadd.s32 $0xFFFFFF80  }
0x125: {  	_ =	sfence.sel $0x180000  }
0x126: {  	[bflag:$0x0] =	sbarrier.arrive $0xFFFF  }
0x127: {  	p0 =	sne.s32 s1, $0x0;
	_ =	strace $0x90000047  }
0x128: {  	s0 =	sadd.s32 @!p0 $0x100000, s0;
	[bflag:$0x2] =	sbarrier.arrive $0xFFFF  }
0x129: {  	[sflag:s0] =	ssyncadd.tile.s32 @!p0 $0x1;
	_ =	shalt  }
.Lfunc_end2:
_tile_overlayer_lowered:
.L_overlay_start_2:
0x12a: {  	(tag) =	ssettag $0x2  }
0x12b: {  	s0 =	rddreg [dreg:$0x0];
	s2 =	stileid.u32  }
0x12c: {  	s1 =	rddreg [dreg:$0x1];
	p0 =	sne.s32 s2, $0x0  }
0x12d: {  	s3 =	rddreg [dreg:$0x2];
	[bflag:$0x3] =	sbarrier.arrive $0xFFFF;
	s2 =	simm.s32 @!p0 $0x1C07  }
0x12e: {  	[timem:s3], [sflag:s2] =	dma.local @!p0 [hbm:s0], s1  }
0x12f: {  	s0 =	simm.s32 @!p0 $0x7  }
0x130: {  	_ =	swait.ge @!p0 [sflag:s0], s1  }
0x131: {  	s1 =	ssub.s32 @!p0 $0x0, s1;
	[sflag:s0] =	ssyncset.done @!p0 $0x0  }
0x132: {  	[sflag:s0] =	ssyncadd.s32 @!p0 s1  }
0x133: {  	[bflag:$0x3] =	sbarrier.arrive $0xFFFF  }
0x134: {  	_ =	shalt  }

</sc_bundles>
